<compile_context>
chip_gen: v7x
topology: tpu7x:2x2x1
jax: 0.10.2.dev20260603
libtpu: 0.0.44.dev20260713+nightly
codegen_flags: <defaults>
</compile_context>

<pallas_src>
import functools
import jax
import jax.numpy as jnp
from jax import lax
from jax.experimental import pallas as pl
from jax.experimental.pallas import tpu as pltpu
from jax.experimental.pallas import tpu_sc as plsc

_VOCAB = 1000000
_EMB = 64
_BATCH = 4096
_SEQ = 200
_SEQP = 256

_NC = 2
_NS = 16
_L = 16
_NW = _NC * _NS
_RPW = _BATCH // _NW
_C0 = 96
_C1 = _SEQ - _C0


def _sc_body(x_hbm, table_hbm, out_hbm, idx_v, gidx_v, scale_v, rows_v,
             out_v, sems):
    wid = lax.axis_index("s") * _NC + lax.axis_index("c")
    base = wid * _RPW

    lane = lax.iota(jnp.int32, _L)
    zero = jnp.zeros((_L,), jnp.float32)
    rem = _SEQ - (_SEQ // _L) * _L
    rem_mask = jnp.minimum(jnp.maximum(lane - (_L - rem - 1), 0), 1)

    pltpu.sync_copy(x_hbm.at[pl.ds(base, _RPW)],
                    idx_v.at[:, pl.ds(0, _SEQ)])

    def transform_row(r, _):
        cnt = jnp.zeros((_L,), jnp.int32)
        vt = idx_v[r, pl.ds(_SEQ - _L, _L)]
        cnt = cnt + jnp.minimum(vt, 1) * rem_mask
        for k in range(_SEQ // _L):
            v = idx_v[r, pl.ds(k * _L, _L)]
            cnt = cnt + jnp.minimum(v, 1)
            gidx_v[r, pl.ds(k * _L, _L)] = v
        gidx_v[r, pl.ds(_SEQ - _L, _L)] = vt
        cnt_s = jnp.sum(cnt)

        x = jnp.full((_L,), cnt_s.astype(jnp.float32) + jnp.float32(1e-10))
        i = plsc.bitcast(x, jnp.int32)
        i = jnp.int32(0x5F3759DF) - (i >> 1)
        y = plsc.bitcast(i, jnp.float32)
        half_x = x * jnp.float32(0.5)
        for _ in range(3):
            y = y * (jnp.float32(1.5) - half_x * y * y)
        scale_v[r, :] = x * y * jnp.float32(1.0 / _SEQ)
        return 0

    lax.fori_loop(0, _RPW, transform_row, 0)

    def issue_gathers(r, buf):
        pltpu.async_copy(
            table_hbm.at[gidx_v.at[r, pl.ds(0, _C0)]],
            rows_v.at[buf, pl.ds(0, _C0)], sems.at[buf])
        pltpu.async_copy(
            table_hbm.at[gidx_v.at[r, pl.ds(_C0, _C1)]],
            rows_v.at[buf, pl.ds(_C0, _C1)], sems.at[buf])

    def wait_gathers(r, buf):
        pltpu.make_async_copy(
            table_hbm.at[gidx_v.at[r, pl.ds(0, _C0)]],
            rows_v.at[buf, pl.ds(0, _C0)], sems.at[buf]).wait()
        pltpu.make_async_copy(
            table_hbm.at[gidx_v.at[r, pl.ds(_C0, _C1)]],
            rows_v.at[buf, pl.ds(_C0, _C1)], sems.at[buf]).wait()

    def process_row(r, buf):
        def acc_body(j, carry):
            a0, a1, a2, a3 = carry
            a0 = a0 + rows_v[buf, j, pl.ds(0, _L)]
            a1 = a1 + rows_v[buf, j, pl.ds(_L, _L)]
            a2 = a2 + rows_v[buf, j, pl.ds(2 * _L, _L)]
            a3 = a3 + rows_v[buf, j, pl.ds(3 * _L, _L)]
            return a0, a1, a2, a3

        a0, a1, a2, a3 = lax.fori_loop(
            0, _SEQ, acc_body, (zero, zero, zero, zero))

        scale = scale_v[r, :]
        out_v[r, pl.ds(0, _L)] = a0 * scale
        out_v[r, pl.ds(_L, _L)] = a1 * scale
        out_v[r, pl.ds(2 * _L, _L)] = a2 * scale
        out_v[r, pl.ds(3 * _L, _L)] = a3 * scale

    issue_gathers(0, 0)

    def row_loop(i, _):
        r = i * 2
        issue_gathers(r + 1, 1)
        wait_gathers(r, 0)
        process_row(r, 0)

        @pl.when(r + 2 < _RPW)
        def _():
            issue_gathers(r + 2, 0)

        wait_gathers(r + 1, 1)
        process_row(r + 1, 1)
        return 0

    lax.fori_loop(0, _RPW // 2, row_loop, 0)

    pltpu.sync_copy(out_v, out_hbm.at[pl.ds(base, _RPW)])


@jax.jit
def kernel(X, table):
    mesh = plsc.VectorSubcoreMesh(core_axis_name="c", subcore_axis_name="s")
    f = functools.partial(
        pl.kernel,
        out_type=jax.ShapeDtypeStruct((_BATCH, _EMB), jnp.float32),
        mesh=mesh,
        scratch_types=[
            pltpu.VMEM((_RPW, _SEQP), jnp.int32),
            pltpu.VMEM((_RPW, _SEQP), jnp.int32),
            pltpu.VMEM((_RPW, _L), jnp.float32),
            pltpu.VMEM((2, _SEQ, _EMB), jnp.float32),
            pltpu.VMEM((_RPW, _EMB), jnp.float32),
            pltpu.SemaphoreType.DMA((2,)),
        ],
        compiler_params=pltpu.CompilerParams(
            use_tc_tiling_on_sc=False, needs_layout_passes=False),
    )(_sc_body)
    return f(X, table)

# --- scband reference (transcript-rebuilt; emitter-appended) ---
"""Pipeline reference for scband-sentence-embedding-66503273611955 (READ-ONLY COPY).

The authoritative reference and input builder live on the scoring server;
editing this copy changes nothing except your own understanding.
"""

import jax, jax.numpy as jnp
import numpy as np

VOCAB = 1000000
EMB = 64
BATCH = 4096
SEQ = 200

def setup_inputs(seed: int = 0) -> dict:
    key = jax.random.key(seed)
    k1, k2 = jax.random.split(key)
    X = jax.random.randint(k1, (BATCH, SEQ), 0, VOCAB, dtype=jnp.int64 if jax.config.jax_enable_x64 else jnp.int32).astype(jnp.int32)
    table = jax.random.normal(k2, (VOCAB, EMB), dtype=jnp.float32) * 0.05
    return {"X": X, "table": table}

def reference(X, table):
    # embedding lookup: gather rows from the table
    embeddings = jnp.take(table, X, axis=0)  # [B, S, D]
    mean = jnp.mean(embeddings, axis=1)      # [B, D]
    # count nonzero tokens per sequence
    reviews_word_count = jnp.sum(X != 0, axis=1)  # [B]
    sqrt_root = jnp.sqrt(reviews_word_count.astype(jnp.float32) + 1e-10)  # [B]
    return mean * jnp.expand_dims(sqrt_root, axis=-1)  # [B, D]

if __name__ == "__main__":
    import jax
    _d = setup_inputs()
    print(jax.jit(kernel)(*tuple(_d.values())))

</pallas_src>

<mosaic_0001>
#map = affine_map<(d0, d1) -> (0, 0)>
module attributes {stable_mosaic.version = 14 : i64} {
  func.func @_sc_body(%arg0: i32, %arg1: i32, %arg2: memref<4096x200xi32, #tpu.memory_space<hbm>>, %arg3: memref<1000000x64xf32, #tpu.memory_space<hbm>>, %arg4: memref<4096x64xf32, #tpu.memory_space<hbm>>, %arg5: memref<128x256xi32, #tpu.memory_space<vmem>>, %arg6: memref<128x256xi32, #tpu.memory_space<vmem>>, %arg7: memref<128x16xf32, #tpu.memory_space<vmem>>, %arg8: memref<2x200x64xf32, #tpu.memory_space<vmem>>, %arg9: memref<128x64xf32, #tpu.memory_space<vmem>>, %arg10: memref<2x!tpu.dma_semaphore, #tpu.memory_space<semaphore_mem>>) attributes {dimension_semantics = [#tpu.dimension_semantics<core_parallel>, #tpu.dimension_semantics<subcore_parallel>], iteration_bounds = array<i64: 2, 16>, scalar_prefetch = 0 : i64, scratch_operands = 6 : i64, tpu.core_type = #tpu.core_type<sc_vector_subcore>, window_params = [{transform_indices = #map}, {transform_indices = #map}, {transform_indices = #map}]} {
    %mul3A = arith.constant 2 : i32
    %mul3A_0 = arith.muli %arg1, %mul3A : i32
    %add3A = arith.addi %mul3A_0, %arg0 : i32
    %mul3A_1 = arith.constant 128 : i32
    %mul3A_2 = arith.muli %add3A, %mul3A_1 : i32
    %iota3A = tpu.iota {dimensions = array<i32: 0>} : vector<16xi32>
    %broadcast_in_dim3A = arith.constant 0.000000e+00 : f32
    %broadcast_in_dim3A_3 = vector.broadcast %broadcast_in_dim3A : f32 to vector<16xf32>
    %sub3A = arith.constant 7 : i32
    %sub3A_4 = vector.broadcast %sub3A : i32 to vector<16xi32>
    %sub3A_5 = arith.subi %iota3A, %sub3A_4 : vector<16xi32>
    %max3A = arith.constant 0 : i32
    %max3A_6 = vector.broadcast %max3A : i32 to vector<16xi32>
    %max3A_7 = arith.maxsi %sub3A_5, %max3A_6 : vector<16xi32>
    %min3A = arith.constant 1 : i32
    %min3A_8 = vector.broadcast %min3A : i32 to vector<16xi32>
    %min3A_9 = arith.minsi %max3A_7, %min3A_8 : vector<16xi32>
    "tpu.region"() ({
      %run_scoped3A = tpu.sem_alloc : memref<!tpu.dma_semaphore, #tpu.memory_space<semaphore_mem>>
      %dma_start3A_52 = arith.constant 0 : i32
      %dma_start3A_53 = arith.constant 0 : i32
      %dma_start3A_54 = tpu.memref_slice %arg5[%dma_start3A_52, %dma_start3A_53] : memref<128x256xi32, #tpu.memory_space<vmem>> -> memref<128x200xi32, #tpu.memory_space<vmem>>
      %dma_start3A_55 = arith.constant 0 : i32
      %dma_start3A_56 = tpu.memref_slice %arg2[%mul3A_2, %dma_start3A_55] : memref<4096x200xi32, #tpu.memory_space<hbm>> -> memref<128x200xi32, #tpu.memory_space<hbm>>
      %dma_start3A_57 = arith.constant 0 : i32
      %dma_start3A_58 = arith.constant 0 : i32
      %dma_start3A_59 = tpu.memref_slice %arg5[%dma_start3A_57, %dma_start3A_58] : memref<128x256xi32, #tpu.memory_space<vmem>> -> memref<128x200xi32, #tpu.memory_space<vmem>>
      %dma_start3A_60 = arith.constant 0 : i32
      %dma_start3A_61 = tpu.memref_slice %arg2[%mul3A_2, %dma_start3A_60] : memref<4096x200xi32, #tpu.memory_space<hbm>> -> memref<128x200xi32, #tpu.memory_space<hbm>>
      tpu.enqueue_dma source(%dma_start3A_61 : memref<128x200xi32, #tpu.memory_space<hbm>>) target(%dma_start3A_59 : memref<128x200xi32, #tpu.memory_space<vmem>>) target_semaphore(%run_scoped3A : memref<!tpu.dma_semaphore, #tpu.memory_space<semaphore_mem>>)
      %dma_wait3A = arith.constant 0 : i32
      %dma_wait3A_62 = arith.constant 0 : i32
      %dma_wait3A_63 = tpu.memref_slice %arg5[%dma_wait3A, %dma_wait3A_62] : memref<128x256xi32, #tpu.memory_space<vmem>> -> memref<128x200xi32, #tpu.memory_space<vmem>>
      %dma_wait3A_64 = arith.constant 0 : i32
      %dma_wait3A_65 = tpu.memref_slice %arg2[%mul3A_2, %dma_wait3A_64] : memref<4096x200xi32, #tpu.memory_space<hbm>> -> memref<128x200xi32, #tpu.memory_space<hbm>>
      %dma_wait3A_66 = arith.constant 0 : i32
      %dma_wait3A_67 = arith.constant 0 : i32
      %dma_wait3A_68 = tpu.memref_slice %arg5[%dma_wait3A_66, %dma_wait3A_67] : memref<128x256xi32, #tpu.memory_space<vmem>> -> memref<128x200xi32, #tpu.memory_space<vmem>>
      %dma_wait3A_69 = arith.constant 0 : i32
      %dma_wait3A_70 = tpu.memref_slice %arg2[%mul3A_2, %dma_wait3A_69] : memref<4096x200xi32, #tpu.memory_space<hbm>> -> memref<128x200xi32, #tpu.memory_space<hbm>>
      tpu.wait_dma2 semaphore(%run_scoped3A : memref<!tpu.dma_semaphore, #tpu.memory_space<semaphore_mem>>) src(%dma_wait3A_70 : memref<128x200xi32, #tpu.memory_space<hbm>>) dst(%dma_wait3A_68 : memref<128x200xi32, #tpu.memory_space<vmem>>)
      tpu.yield
    }) : () -> ()
    %scan3A = arith.constant 0 : i32
    %scan3A_10 = arith.constant 0 : i32
    %scan3A_11 = arith.constant 128 : i32
    %scan3A_12 = arith.addi %scan3A_10, %scan3A_11 : i32
    %scan3A_13 = arith.constant 1 : i32
    %scan3A_14 = scf.for %scan3A_52 = %scan3A_10 to %scan3A_12 step %scan3A_13 iter_args(%scan3A_53 = %scan3A) -> (i32)  : i32 {
      %broadcast_in_dim3A_54 = arith.constant 0 : i32
      %broadcast_in_dim3A_55 = vector.broadcast %broadcast_in_dim3A_54 : i32 to vector<16xi32>
      %get3A = arith.index_cast %scan3A_52 : i32 to index
      %get3A_56 = arith.constant 184 : index
      %get3A_57 = tpu.vector_load %arg5[%get3A, %get3A_56] {strides = array<i32>} : memref<128x256xi32, #tpu.memory_space<vmem>>, vector<16xi32>,
      %min3A_58 = arith.constant 1 : i32
      %min3A_59 = vector.broadcast %min3A_58 : i32 to vector<16xi32>
      %min3A_60 = arith.minsi %get3A_57, %min3A_59 : vector<16xi32>
      %mul3A_61 = arith.muli %min3A_60, %min3A_9 : vector<16xi32>
      %add3A_62 = arith.addi %broadcast_in_dim3A_55, %mul3A_61 : vector<16xi32>
      %get3A_63 = arith.index_cast %scan3A_52 : i32 to index
      %get3A_64 = arith.constant 0 : index
      %get3A_65 = tpu.vector_load %arg5[%get3A_63, %get3A_64] {strides = array<i32>} : memref<128x256xi32, #tpu.memory_space<vmem>>, vector<16xi32>,
      %min3A_66 = arith.constant 1 : i32
      %min3A_67 = vector.broadcast %min3A_66 : i32 to vector<16xi32>
      %min3A_68 = arith.minsi %get3A_65, %min3A_67 : vector<16xi32>
      %add3A_69 = arith.addi %add3A_62, %min3A_68 : vector<16xi32>
      %swap3A = arith.index_cast %scan3A_52 : i32 to index
      %swap3A_70 = arith.constant 0 : index
      %swap3A_71 = tpu.vector_load %arg6[%swap3A, %swap3A_70] {strides = array<i32>} : memref<128x256xi32, #tpu.memory_space<vmem>>, vector<16xi32>,
      tpu.vector_store %arg6[%swap3A, %swap3A_70], %get3A_65 {strides = array<i32>} : memref<128x256xi32, #tpu.memory_space<vmem>>, vector<16xi32>,
      %get3A_72 = arith.index_cast %scan3A_52 : i32 to index
      %get3A_73 = arith.constant 16 : index
      %get3A_74 = tpu.vector_load %arg5[%get3A_72, %get3A_73] {strides = array<i32>} : memref<128x256xi32, #tpu.memory_space<vmem>>, vector<16xi32>,
      %min3A_75 = arith.constant 1 : i32
      %min3A_76 = vector.broadcast %min3A_75 : i32 to vector<16xi32>
      %min3A_77 = arith.minsi %get3A_74, %min3A_76 : vector<16xi32>
      %add3A_78 = arith.addi %add3A_69, %min3A_77 : vector<16xi32>
      %swap3A_79 = arith.index_cast %scan3A_52 : i32 to index
      %swap3A_80 = arith.constant 16 : index
      %swap3A_81 = tpu.vector_load %arg6[%swap3A_79, %swap3A_80] {strides = array<i32>} : memref<128x256xi32, #tpu.memory_space<vmem>>, vector<16xi32>,
      tpu.vector_store %arg6[%swap3A_79, %swap3A_80], %get3A_74 {strides = array<i32>} : memref<128x256xi32, #tpu.memory_space<vmem>>, vector<16xi32>,
      %get3A_82 = arith.index_cast %scan3A_52 : i32 to index
      %get3A_83 = arith.constant 32 : index
      %get3A_84 = tpu.vector_load %arg5[%get3A_82, %get3A_83] {strides = array<i32>} : memref<128x256xi32, #tpu.memory_space<vmem>>, vector<16xi32>,
      %min3A_85 = arith.constant 1 : i32
      %min3A_86 = vector.broadcast %min3A_85 : i32 to vector<16xi32>
      %min3A_87 = arith.minsi %get3A_84, %min3A_86 : vector<16xi32>
      %add3A_88 = arith.addi %add3A_78, %min3A_87 : vector<16xi32>
      %swap3A_89 = arith.index_cast %scan3A_52 : i32 to index
      %swap3A_90 = arith.constant 32 : index
      %swap3A_91 = tpu.vector_load %arg6[%swap3A_89, %swap3A_90] {strides = array<i32>} : memref<128x256xi32, #tpu.memory_space<vmem>>, vector<16xi32>,
      tpu.vector_store %arg6[%swap3A_89, %swap3A_90], %get3A_84 {strides = array<i32>} : memref<128x256xi32, #tpu.memory_space<vmem>>, vector<16xi32>,
      %get3A_92 = arith.index_cast %scan3A_52 : i32 to index
      %get3A_93 = arith.constant 48 : index
      %get3A_94 = tpu.vector_load %arg5[%get3A_92, %get3A_93] {strides = array<i32>} : memref<128x256xi32, #tpu.memory_space<vmem>>, vector<16xi32>,
      %min3A_95 = arith.constant 1 : i32
      %min3A_96 = vector.broadcast %min3A_95 : i32 to vector<16xi32>
      %min3A_97 = arith.minsi %get3A_94, %min3A_96 : vector<16xi32>
      %add3A_98 = arith.addi %add3A_88, %min3A_97 : vector<16xi32>
      %swap3A_99 = arith.index_cast %scan3A_52 : i32 to index
      %swap3A_100 = arith.constant 48 : index
      %swap3A_101 = tpu.vector_load %arg6[%swap3A_99, %swap3A_100] {strides = array<i32>} : memref<128x256xi32, #tpu.memory_space<vmem>>, vector<16xi32>,
      tpu.vector_store %arg6[%swap3A_99, %swap3A_100], %get3A_94 {strides = array<i32>} : memref<128x256xi32, #tpu.memory_space<vmem>>, vector<16xi32>,
      %get3A_102 = arith.index_cast %scan3A_52 : i32 to index
      %get3A_103 = arith.constant 64 : index
      %get3A_104 = tpu.vector_load %arg5[%get3A_102, %get3A_103] {strides = array<i32>} : memref<128x256xi32, #tpu.memory_space<vmem>>, vector<16xi32>,
      %min3A_105 = arith.constant 1 : i32
      %min3A_106 = vector.broadcast %min3A_105 : i32 to vector<16xi32>
      %min3A_107 = arith.minsi %get3A_104, %min3A_106 : vector<16xi32>
      %add3A_108 = arith.addi %add3A_98, %min3A_107 : vector<16xi32>
      %swap3A_109 = arith.index_cast %scan3A_52 : i32 to index
      %swap3A_110 = arith.constant 64 : index
      %swap3A_111 = tpu.vector_load %arg6[%swap3A_109, %swap3A_110] {strides = array<i32>} : memref<128x256xi32, #tpu.memory_space<vmem>>, vector<16xi32>,
      tpu.vector_store %arg6[%swap3A_109, %swap3A_110], %get3A_104 {strides = array<i32>} : memref<128x256xi32, #tpu.memory_space<vmem>>, vector<16xi32>,
      %get3A_112 = arith.index_cast %scan3A_52 : i32 to index
      %get3A_113 = arith.constant 80 : index
      %get3A_114 = tpu.vector_load %arg5[%get3A_112, %get3A_113] {strides = array<i32>} : memref<128x256xi32, #tpu.memory_space<vmem>>, vector<16xi32>,
      %min3A_115 = arith.constant 1 : i32
      %min3A_116 = vector.broadcast %min3A_115 : i32 to vector<16xi32>
      %min3A_117 = arith.minsi %get3A_114, %min3A_116 : vector<16xi32>
      %add3A_118 = arith.addi %add3A_108, %min3A_117 : vector<16xi32>
      %swap3A_119 = arith.index_cast %scan3A_52 : i32 to index
      %swap3A_120 = arith.constant 80 : index
      %swap3A_121 = tpu.vector_load %arg6[%swap3A_119, %swap3A_120] {strides = array<i32>} : memref<128x256xi32, #tpu.memory_space<vmem>>, vector<16xi32>,
      tpu.vector_store %arg6[%swap3A_119, %swap3A_120], %get3A_114 {strides = array<i32>} : memref<128x256xi32, #tpu.memory_space<vmem>>, vector<16xi32>,
      %get3A_122 = arith.index_cast %scan3A_52 : i32 to index
      %get3A_123 = arith.constant 96 : index
      %get3A_124 = tpu.vector_load %arg5[%get3A_122, %get3A_123] {strides = array<i32>} : memref<128x256xi32, #tpu.memory_space<vmem>>, vector<16xi32>,
      %min3A_125 = arith.constant 1 : i32
      %min3A_126 = vector.broadcast %min3A_125 : i32 to vector<16xi32>
      %min3A_127 = arith.minsi %get3A_124, %min3A_126 : vector<16xi32>
      %add3A_128 = arith.addi %add3A_118, %min3A_127 : vector<16xi32>
      %swap3A_129 = arith.index_cast %scan3A_52 : i32 to index
      %swap3A_130 = arith.constant 96 : index
      %swap3A_131 = tpu.vector_load %arg6[%swap3A_129, %swap3A_130] {strides = array<i32>} : memref<128x256xi32, #tpu.memory_space<vmem>>, vector<16xi32>,
      tpu.vector_store %arg6[%swap3A_129, %swap3A_130], %get3A_124 {strides = array<i32>} : memref<128x256xi32, #tpu.memory_space<vmem>>, vector<16xi32>,
      %get3A_132 = arith.index_cast %scan3A_52 : i32 to index
      %get3A_133 = arith.constant 112 : index
      %get3A_134 = tpu.vector_load %arg5[%get3A_132, %get3A_133] {strides = array<i32>} : memref<128x256xi32, #tpu.memory_space<vmem>>, vector<16xi32>,
      %min3A_135 = arith.constant 1 : i32
      %min3A_136 = vector.broadcast %min3A_135 : i32 to vector<16xi32>
      %min3A_137 = arith.minsi %get3A_134, %min3A_136 : vector<16xi32>
      %add3A_138 = arith.addi %add3A_128, %min3A_137 : vector<16xi32>
      %swap3A_139 = arith.index_cast %scan3A_52 : i32 to index
      %swap3A_140 = arith.constant 112 : index
      %swap3A_141 = tpu.vector_load %arg6[%swap3A_139, %swap3A_140] {strides = array<i32>} : memref<128x256xi32, #tpu.memory_space<vmem>>, vector<16xi32>,
      tpu.vector_store %arg6[%swap3A_139, %swap3A_140], %get3A_134 {strides = array<i32>} : memref<128x256xi32, #tpu.memory_space<vmem>>, vector<16xi32>,
      %get3A_142 = arith.index_cast %scan3A_52 : i32 to index
      %get3A_143 = arith.constant 128 : index
      %get3A_144 = tpu.vector_load %arg5[%get3A_142, %get3A_143] {strides = array<i32>} : memref<128x256xi32, #tpu.memory_space<vmem>>, vector<16xi32>,
      %min3A_145 = arith.constant 1 : i32
      %min3A_146 = vector.broadcast %min3A_145 : i32 to vector<16xi32>
      %min3A_147 = arith.minsi %get3A_144, %min3A_146 : vector<16xi32>
      %add3A_148 = arith.addi %add3A_138, %min3A_147 : vector<16xi32>
      %swap3A_149 = arith.index_cast %scan3A_52 : i32 to index
      %swap3A_150 = arith.constant 128 : index
      %swap3A_151 = tpu.vector_load %arg6[%swap3A_149, %swap3A_150] {strides = array<i32>} : memref<128x256xi32, #tpu.memory_space<vmem>>, vector<16xi32>,
      tpu.vector_store %arg6[%swap3A_149, %swap3A_150], %get3A_144 {strides = array<i32>} : memref<128x256xi32, #tpu.memory_space<vmem>>, vector<16xi32>,
      %get3A_152 = arith.index_cast %scan3A_52 : i32 to index
      %get3A_153 = arith.constant 144 : index
      %get3A_154 = tpu.vector_load %arg5[%get3A_152, %get3A_153] {strides = array<i32>} : memref<128x256xi32, #tpu.memory_space<vmem>>, vector<16xi32>,
      %min3A_155 = arith.constant 1 : i32
      %min3A_156 = vector.broadcast %min3A_155 : i32 to vector<16xi32>
      %min3A_157 = arith.minsi %get3A_154, %min3A_156 : vector<16xi32>
      %add3A_158 = arith.addi %add3A_148, %min3A_157 : vector<16xi32>
      %swap3A_159 = arith.index_cast %scan3A_52 : i32 to index
      %swap3A_160 = arith.constant 144 : index
      %swap3A_161 = tpu.vector_load %arg6[%swap3A_159, %swap3A_160] {strides = array<i32>} : memref<128x256xi32, #tpu.memory_space<vmem>>, vector<16xi32>,
      tpu.vector_store %arg6[%swap3A_159, %swap3A_160], %get3A_154 {strides = array<i32>} : memref<128x256xi32, #tpu.memory_space<vmem>>, vector<16xi32>,
      %get3A_162 = arith.index_cast %scan3A_52 : i32 to index
      %get3A_163 = arith.constant 160 : index
      %get3A_164 = tpu.vector_load %arg5[%get3A_162, %get3A_163] {strides = array<i32>} : memref<128x256xi32, #tpu.memory_space<vmem>>, vector<16xi32>,
      %min3A_165 = arith.constant 1 : i32
      %min3A_166 = vector.broadcast %min3A_165 : i32 to vector<16xi32>
      %min3A_167 = arith.minsi %get3A_164, %min3A_166 : vector<16xi32>
      %add3A_168 = arith.addi %add3A_158, %min3A_167 : vector<16xi32>
      %swap3A_169 = arith.index_cast %scan3A_52 : i32 to index
      %swap3A_170 = arith.constant 160 : index
      %swap3A_171 = tpu.vector_load %arg6[%swap3A_169, %swap3A_170] {strides = array<i32>} : memref<128x256xi32, #tpu.memory_space<vmem>>, vector<16xi32>,
      tpu.vector_store %arg6[%swap3A_169, %swap3A_170], %get3A_164 {strides = array<i32>} : memref<128x256xi32, #tpu.memory_space<vmem>>, vector<16xi32>,
      %get3A_172 = arith.index_cast %scan3A_52 : i32 to index
      %get3A_173 = arith.constant 176 : index
      %get3A_174 = tpu.vector_load %arg5[%get3A_172, %get3A_173] {strides = array<i32>} : memref<128x256xi32, #tpu.memory_space<vmem>>, vector<16xi32>,
      %min3A_175 = arith.constant 1 : i32
      %min3A_176 = vector.broadcast %min3A_175 : i32 to vector<16xi32>
      %min3A_177 = arith.minsi %get3A_174, %min3A_176 : vector<16xi32>
      %add3A_178 = arith.addi %add3A_168, %min3A_177 : vector<16xi32>
      %swap3A_179 = arith.index_cast %scan3A_52 : i32 to index
      %swap3A_180 = arith.constant 176 : index
      %swap3A_181 = tpu.vector_load %arg6[%swap3A_179, %swap3A_180] {strides = array<i32>} : memref<128x256xi32, #tpu.memory_space<vmem>>, vector<16xi32>,
      tpu.vector_store %arg6[%swap3A_179, %swap3A_180], %get3A_174 {strides = array<i32>} : memref<128x256xi32, #tpu.memory_space<vmem>>, vector<16xi32>,
      %swap3A_182 = arith.index_cast %scan3A_52 : i32 to index
      %swap3A_183 = arith.constant 184 : index
      %swap3A_184 = tpu.vector_load %arg6[%swap3A_182, %swap3A_183] {strides = array<i32>} : memref<128x256xi32, #tpu.memory_space<vmem>>, vector<16xi32>,
      tpu.vector_store %arg6[%swap3A_182, %swap3A_183], %get3A_57 {strides = array<i32>} : memref<128x256xi32, #tpu.memory_space<vmem>>, vector<16xi32>,
      %reduce_sum3A = arith.constant true
      %reduce_sum3A_185 = vector.broadcast %reduce_sum3A : i1 to vector<16xi1>
      %reduce_sum3A_186 = tpu.scan <sum>, %add3A_178 masked %reduce_sum3A_185 : vector<16xi32>, vector<16xi1> -> vector<16xi32>
      %reduce_sum3A_187 = vector.extract %reduce_sum3A_186[15] : i32 from vector<16xi32>
      %convert_element_type3A = arith.sitofp %reduce_sum3A_187 : i32 to f32
      %add3A_188 = arith.constant 1.000000e-10 : f32
      %add3A_189 = arith.addf %convert_element_type3A, %add3A_188 : f32
      %broadcast_in_dim3A_190 = vector.broadcast %add3A_189 : f32 to vector<16xf32>
      %bitcast3A = vector.bitcast %broadcast_in_dim3A_190 : vector<16xf32> to vector<16xi32>
      %shift_right_arithmetic3A = arith.constant 1 : i32
      %shift_right_arithmetic3A_191 = vector.broadcast %shift_right_arithmetic3A : i32 to vector<16xi32>
      %shift_right_arithmetic3A_192 = arith.shrsi %bitcast3A, %shift_right_arithmetic3A_191 : vector<16xi32>
      %sub3A_193 = arith.constant 1597463007 : i32
      %sub3A_194 = vector.broadcast %sub3A_193 : i32 to vector<16xi32>
      %sub3A_195 = arith.subi %sub3A_194, %shift_right_arithmetic3A_192 : vector<16xi32>
      %bitcast3A_196 = vector.bitcast %sub3A_195 : vector<16xi32> to vector<16xf32>
      %mul3A_197 = arith.constant 5.000000e-01 : f32
      %mul3A_198 = vector.broadcast %mul3A_197 : f32 to vector<16xf32>
      %mul3A_199 = arith.mulf %broadcast_in_dim3A_190, %mul3A_198 : vector<16xf32>
      %mul3A_200 = arith.mulf %mul3A_199, %bitcast3A_196 : vector<16xf32>
      %mul3A_201 = arith.mulf %mul3A_200, %bitcast3A_196 : vector<16xf32>
      %sub3A_202 = arith.constant 1.500000e+00 : f32
      %sub3A_203 = vector.broadcast %sub3A_202 : f32 to vector<16xf32>
      %sub3A_204 = arith.subf %sub3A_203, %mul3A_201 : vector<16xf32>
      %mul3A_205 = arith.mulf %bitcast3A_196, %sub3A_204 : vector<16xf32>
      %mul3A_206 = arith.mulf %mul3A_199, %mul3A_205 : vector<16xf32>
      %mul3A_207 = arith.mulf %mul3A_206, %mul3A_205 : vector<16xf32>
      %sub3A_208 = arith.constant 1.500000e+00 : f32
      %sub3A_209 = vector.broadcast %sub3A_208 : f32 to vector<16xf32>
      %sub3A_210 = arith.subf %sub3A_209, %mul3A_207 : vector<16xf32>
      %mul3A_211 = arith.mulf %mul3A_205, %sub3A_210 : vector<16xf32>
      %mul3A_212 = arith.mulf %mul3A_199, %mul3A_211 : vector<16xf32>
      %mul3A_213 = arith.mulf %mul3A_212, %mul3A_211 : vector<16xf32>
      %sub3A_214 = arith.constant 1.500000e+00 : f32
      %sub3A_215 = vector.broadcast %sub3A_214 : f32 to vector<16xf32>
      %sub3A_216 = arith.subf %sub3A_215, %mul3A_213 : vector<16xf32>
      %mul3A_217 = arith.mulf %mul3A_211, %sub3A_216 : vector<16xf32>
      %mul3A_218 = arith.mulf %broadcast_in_dim3A_190, %mul3A_217 : vector<16xf32>
      %mul3A_219 = arith.constant 5.000000e-03 : f32
      %mul3A_220 = vector.broadcast %mul3A_219 : f32 to vector<16xf32>
      %mul3A_221 = arith.mulf %mul3A_218, %mul3A_220 : vector<16xf32>
      %swap3A_222 = arith.index_cast %scan3A_52 : i32 to index
      %swap3A_223 = arith.constant 0 : index
      %swap3A_224 = tpu.vector_load %arg7[%swap3A_222, %swap3A_223] {strides = array<i32>} : memref<128x16xf32, #tpu.memory_space<vmem>>, vector<16xf32>,
      tpu.vector_store %arg7[%swap3A_222, %swap3A_223], %mul3A_221 {strides = array<i32>} : memref<128x16xf32, #tpu.memory_space<vmem>>, vector<16xf32>,
      %scan3A_225 = arith.constant 0 : i32
      scf.yield %scan3A_225 : i32
    }
    %scan3A_15 = arith.constant 128 : i32
    %dma_start3A = arith.constant 0 : i32
    %dma_start3A_16 = arith.constant 0 : i32
    %dma_start3A_17 = arith.constant 0 : i32
    %dma_start3A_18 = arith.constant 0 : i32
    %dma_start3A_19 = arith.constant 0 : i32
    %dma_start3A_20 = tpu.memref_slice %arg8[%dma_start3A_16, %dma_start3A_18, %dma_start3A_19] : memref<2x200x64xf32, #tpu.memory_space<vmem>> -> memref<1x96x64xf32, #tpu.memory_space<vmem>>
    %dma_start3A_21 = tpu.memref_squeeze %dma_start3A_20 : memref<1x96x64xf32, #tpu.memory_space<vmem>> -> memref<96x64xf32, #tpu.memory_space<vmem>>
    %dma_start3A_22 = arith.constant 0 : i32
    %dma_start3A_23 = tpu.memref_slice %arg6[%dma_start3A, %dma_start3A_22] : memref<128x256xi32, #tpu.memory_space<vmem>> -> memref<1x96xi32, #tpu.memory_space<vmem>>
    %dma_start3A_24 = tpu.memref_squeeze %dma_start3A_23 : memref<1x96xi32, #tpu.memory_space<vmem>> -> memref<96xi32, #tpu.memory_space<vmem>>
    %dma_start3A_25 = arith.constant 0 : i32
    %dma_start3A_26 = arith.constant 0 : i32
    %dma_start3A_27 = tpu.memref_slice %arg3[%dma_start3A_25, %dma_start3A_26] : memref<1000000x64xf32, #tpu.memory_space<hbm>> -> memref<1000000x64xf32, #tpu.memory_space<hbm>>
    %dma_start3A_28 = tpu.memref_slice %arg10[%dma_start3A_17] : memref<2x!tpu.dma_semaphore, #tpu.memory_space<semaphore_mem>> -> memref<1x!tpu.dma_semaphore, #tpu.memory_space<semaphore_mem>>
    %dma_start3A_29 = tpu.memref_squeeze %dma_start3A_28 : memref<1x!tpu.dma_semaphore, #tpu.memory_space<semaphore_mem>> -> memref<!tpu.dma_semaphore, #tpu.memory_space<semaphore_mem>>
    tpu.enqueue_indirect_dma source(%dma_start3A_27 : memref<1000000x64xf32, #tpu.memory_space<hbm>>) target(%dma_start3A_21 : memref<96x64xf32, #tpu.memory_space<vmem>>) offsets(%dma_start3A_24 : memref<96xi32, #tpu.memory_space<vmem>>) semaphore(%dma_start3A_29 : memref<!tpu.dma_semaphore, #tpu.memory_space<semaphore_mem>>)
    %dma_start3A_30 = arith.constant 0 : i32
    %dma_start3A_31 = arith.constant 0 : i32
    %dma_start3A_32 = arith.constant 0 : i32
    %dma_start3A_33 = arith.constant 96 : i32
    %dma_start3A_34 = arith.constant 0 : i32
    %dma_start3A_35 = tpu.memref_slice %arg8[%dma_start3A_31, %dma_start3A_33, %dma_start3A_34] : memref<2x200x64xf32, #tpu.memory_space<vmem>> -> memref<1x104x64xf32, #tpu.memory_space<vmem>>
    %dma_start3A_36 = tpu.memref_squeeze %dma_start3A_35 : memref<1x104x64xf32, #tpu.memory_space<vmem>> -> memref<104x64xf32, #tpu.memory_space<vmem>>
    %dma_start3A_37 = arith.constant 96 : i32
    %dma_start3A_38 = tpu.memref_slice %arg6[%dma_start3A_30, %dma_start3A_37] : memref<128x256xi32, #tpu.memory_space<vmem>> -> memref<1x104xi32, #tpu.memory_space<vmem>>
    %dma_start3A_39 = tpu.memref_squeeze %dma_start3A_38 : memref<1x104xi32, #tpu.memory_space<vmem>> -> memref<104xi32, #tpu.memory_space<vmem>>
    %dma_start3A_40 = arith.constant 0 : i32
    %dma_start3A_41 = arith.constant 0 : i32
    %dma_start3A_42 = tpu.memref_slice %arg3[%dma_start3A_40, %dma_start3A_41] : memref<1000000x64xf32, #tpu.memory_space<hbm>> -> memref<1000000x64xf32, #tpu.memory_space<hbm>>
    %dma_start3A_43 = tpu.memref_slice %arg10[%dma_start3A_32] : memref<2x!tpu.dma_semaphore, #tpu.memory_space<semaphore_mem>> -> memref<1x!tpu.dma_semaphore, #tpu.memory_space<semaphore_mem>>
    %dma_start3A_44 = tpu.memref_squeeze %dma_start3A_43 : memref<1x!tpu.dma_semaphore, #tpu.memory_space<semaphore_mem>> -> memref<!tpu.dma_semaphore, #tpu.memory_space<semaphore_mem>>
    tpu.enqueue_indirect_dma source(%dma_start3A_42 : memref<1000000x64xf32, #tpu.memory_space<hbm>>) target(%dma_start3A_36 : memref<104x64xf32, #tpu.memory_space<vmem>>) offsets(%dma_start3A_39 : memref<104xi32, #tpu.memory_space<vmem>>) semaphore(%dma_start3A_44 : memref<!tpu.dma_semaphore, #tpu.memory_space<semaphore_mem>>)
    %scan3A_45 = arith.constant 0 : i32
    %scan3A_46 = arith.constant 0 : i32
    %scan3A_47 = arith.constant 64 : i32
    %scan3A_48 = arith.addi %scan3A_46, %scan3A_47 : i32
    %scan3A_49 = arith.constant 1 : i32
    %scan3A_50 = scf.for %scan3A_52 = %scan3A_46 to %scan3A_48 step %scan3A_49 iter_args(%scan3A_53 = %scan3A_45) -> (i32)  : i32 {
      %mul3A_54 = arith.constant 2 : i32
      %mul3A_55 = arith.muli %scan3A_52, %mul3A_54 : i32
      %add3A_56 = arith.constant 1 : i32
      %add3A_57 = arith.addi %mul3A_55, %add3A_56 : i32
      %dma_start3A_58 = arith.constant 1 : i32
      %dma_start3A_59 = arith.constant 1 : i32
      %dma_start3A_60 = arith.constant 0 : i32
      %dma_start3A_61 = arith.constant 0 : i32
      %dma_start3A_62 = tpu.memref_slice %arg8[%dma_start3A_58, %dma_start3A_60, %dma_start3A_61] : memref<2x200x64xf32, #tpu.memory_space<vmem>> -> memref<1x96x64xf32, #tpu.memory_space<vmem>>
      %dma_start3A_63 = tpu.memref_squeeze %dma_start3A_62 : memref<1x96x64xf32, #tpu.memory_space<vmem>> -> memref<96x64xf32, #tpu.memory_space<vmem>>
      %dma_start3A_64 = arith.constant 0 : i32
      %dma_start3A_65 = tpu.memref_slice %arg6[%add3A_57, %dma_start3A_64] : memref<128x256xi32, #tpu.memory_space<vmem>> -> memref<1x96xi32, #tpu.memory_space<vmem>>
      %dma_start3A_66 = tpu.memref_squeeze %dma_start3A_65 : memref<1x96xi32, #tpu.memory_space<vmem>> -> memref<96xi32, #tpu.memory_space<vmem>>
      %dma_start3A_67 = arith.constant 0 : i32
      %dma_start3A_68 = arith.constant 0 : i32
      %dma_start3A_69 = tpu.memref_slice %arg3[%dma_start3A_67, %dma_start3A_68] : memref<1000000x64xf32, #tpu.memory_space<hbm>> -> memref<1000000x64xf32, #tpu.memory_space<hbm>>
      %dma_start3A_70 = tpu.memref_slice %arg10[%dma_start3A_59] : memref<2x!tpu.dma_semaphore, #tpu.memory_space<semaphore_mem>> -> memref<1x!tpu.dma_semaphore, #tpu.memory_space<semaphore_mem>>
      %dma_start3A_71 = tpu.memref_squeeze %dma_start3A_70 : memref<1x!tpu.dma_semaphore, #tpu.memory_space<semaphore_mem>> -> memref<!tpu.dma_semaphore, #tpu.memory_space<semaphore_mem>>
      tpu.enqueue_indirect_dma source(%dma_start3A_69 : memref<1000000x64xf32, #tpu.memory_space<hbm>>) target(%dma_start3A_63 : memref<96x64xf32, #tpu.memory_space<vmem>>) offsets(%dma_start3A_66 : memref<96xi32, #tpu.memory_space<vmem>>) semaphore(%dma_start3A_71 : memref<!tpu.dma_semaphore, #tpu.memory_space<semaphore_mem>>)
      %dma_start3A_72 = arith.constant 1 : i32
      %dma_start3A_73 = arith.constant 1 : i32
      %dma_start3A_74 = arith.constant 96 : i32
      %dma_start3A_75 = arith.constant 0 : i32
      %dma_start3A_76 = tpu.memref_slice %arg8[%dma_start3A_72, %dma_start3A_74, %dma_start3A_75] : memref<2x200x64xf32, #tpu.memory_space<vmem>> -> memref<1x104x64xf32, #tpu.memory_space<vmem>>
      %dma_start3A_77 = tpu.memref_squeeze %dma_start3A_76 : memref<1x104x64xf32, #tpu.memory_space<vmem>> -> memref<104x64xf32, #tpu.memory_space<vmem>>
      %dma_start3A_78 = arith.constant 96 : i32
      %dma_start3A_79 = tpu.memref_slice %arg6[%add3A_57, %dma_start3A_78] : memref<128x256xi32, #tpu.memory_space<vmem>> -> memref<1x104xi32, #tpu.memory_space<vmem>>
      %dma_start3A_80 = tpu.memref_squeeze %dma_start3A_79 : memref<1x104xi32, #tpu.memory_space<vmem>> -> memref<104xi32, #tpu.memory_space<vmem>>
      %dma_start3A_81 = arith.constant 0 : i32
      %dma_start3A_82 = arith.constant 0 : i32
      %dma_start3A_83 = tpu.memref_slice %arg3[%dma_start3A_81, %dma_start3A_82] : memref<1000000x64xf32, #tpu.memory_space<hbm>> -> memref<1000000x64xf32, #tpu.memory_space<hbm>>
      %dma_start3A_84 = tpu.memref_slice %arg10[%dma_start3A_73] : memref<2x!tpu.dma_semaphore, #tpu.memory_space<semaphore_mem>> -> memref<1x!tpu.dma_semaphore, #tpu.memory_space<semaphore_mem>>
      %dma_start3A_85 = tpu.memref_squeeze %dma_start3A_84 : memref<1x!tpu.dma_semaphore, #tpu.memory_space<semaphore_mem>> -> memref<!tpu.dma_semaphore, #tpu.memory_space<semaphore_mem>>
      tpu.enqueue_indirect_dma source(%dma_start3A_83 : memref<1000000x64xf32, #tpu.memory_space<hbm>>) target(%dma_start3A_77 : memref<104x64xf32, #tpu.memory_space<vmem>>) offsets(%dma_start3A_80 : memref<104xi32, #tpu.memory_space<vmem>>) semaphore(%dma_start3A_85 : memref<!tpu.dma_semaphore, #tpu.memory_space<semaphore_mem>>)
      %dma_wait3A = arith.constant 0 : i32
      %dma_wait3A_86 = arith.constant 0 : i32
      %dma_wait3A_87 = arith.constant 0 : i32
      %dma_wait3A_88 = arith.constant 0 : i32
      %dma_wait3A_89 = tpu.memref_slice %arg8[%dma_wait3A, %dma_wait3A_87, %dma_wait3A_88] : memref<2x200x64xf32, #tpu.memory_space<vmem>> -> memref<1x96x64xf32, #tpu.memory_space<vmem>>
      %dma_wait3A_90 = tpu.memref_squeeze %dma_wait3A_89 : memref<1x96x64xf32, #tpu.memory_space<vmem>> -> memref<96x64xf32, #tpu.memory_space<vmem>>
      %dma_wait3A_91 = arith.constant 0 : i32
      %dma_wait3A_92 = tpu.memref_slice %arg6[%mul3A_55, %dma_wait3A_91] : memref<128x256xi32, #tpu.memory_space<vmem>> -> memref<1x96xi32, #tpu.memory_space<vmem>>
      %dma_wait3A_93 = tpu.memref_squeeze %dma_wait3A_92 : memref<1x96xi32, #tpu.memory_space<vmem>> -> memref<96xi32, #tpu.memory_space<vmem>>
      %dma_wait3A_94 = arith.constant 0 : i32
      %dma_wait3A_95 = arith.constant 0 : i32
      %dma_wait3A_96 = tpu.memref_slice %arg3[%dma_wait3A_94, %dma_wait3A_95] : memref<1000000x64xf32, #tpu.memory_space<hbm>> -> memref<1000000x64xf32, #tpu.memory_space<hbm>>
      %dma_wait3A_97 = tpu.memref_slice %arg10[%dma_wait3A_86] : memref<2x!tpu.dma_semaphore, #tpu.memory_space<semaphore_mem>> -> memref<1x!tpu.dma_semaphore, #tpu.memory_space<semaphore_mem>>
      %dma_wait3A_98 = tpu.memref_squeeze %dma_wait3A_97 : memref<1x!tpu.dma_semaphore, #tpu.memory_space<semaphore_mem>> -> memref<!tpu.dma_semaphore, #tpu.memory_space<semaphore_mem>>
      tpu.wait_indirect_dma semaphore(%dma_wait3A_98 : memref<!tpu.dma_semaphore, #tpu.memory_space<semaphore_mem>>) src(%dma_wait3A_96 : memref<1000000x64xf32, #tpu.memory_space<hbm>>) dst(%dma_wait3A_90 : memref<96x64xf32, #tpu.memory_space<vmem>>)
      %dma_wait3A_99 = arith.constant 0 : i32
      %dma_wait3A_100 = arith.constant 0 : i32
      %dma_wait3A_101 = arith.constant 96 : i32
      %dma_wait3A_102 = arith.constant 0 : i32
      %dma_wait3A_103 = tpu.memref_slice %arg8[%dma_wait3A_99, %dma_wait3A_101, %dma_wait3A_102] : memref<2x200x64xf32, #tpu.memory_space<vmem>> -> memref<1x104x64xf32, #tpu.memory_space<vmem>>
      %dma_wait3A_104 = tpu.memref_squeeze %dma_wait3A_103 : memref<1x104x64xf32, #tpu.memory_space<vmem>> -> memref<104x64xf32, #tpu.memory_space<vmem>>
      %dma_wait3A_105 = arith.constant 96 : i32
      %dma_wait3A_106 = tpu.memref_slice %arg6[%mul3A_55, %dma_wait3A_105] : memref<128x256xi32, #tpu.memory_space<vmem>> -> memref<1x104xi32, #tpu.memory_space<vmem>>
      %dma_wait3A_107 = tpu.memref_squeeze %dma_wait3A_106 : memref<1x104xi32, #tpu.memory_space<vmem>> -> memref<104xi32, #tpu.memory_space<vmem>>
      %dma_wait3A_108 = arith.constant 0 : i32
      %dma_wait3A_109 = arith.constant 0 : i32
      %dma_wait3A_110 = tpu.memref_slice %arg3[%dma_wait3A_108, %dma_wait3A_109] : memref<1000000x64xf32, #tpu.memory_space<hbm>> -> memref<1000000x64xf32, #tpu.memory_space<hbm>>
      %dma_wait3A_111 = tpu.memref_slice %arg10[%dma_wait3A_100] : memref<2x!tpu.dma_semaphore, #tpu.memory_space<semaphore_mem>> -> memref<1x!tpu.dma_semaphore, #tpu.memory_space<semaphore_mem>>
      %dma_wait3A_112 = tpu.memref_squeeze %dma_wait3A_111 : memref<1x!tpu.dma_semaphore, #tpu.memory_space<semaphore_mem>> -> memref<!tpu.dma_semaphore, #tpu.memory_space<semaphore_mem>>
      tpu.wait_indirect_dma semaphore(%dma_wait3A_112 : memref<!tpu.dma_semaphore, #tpu.memory_space<semaphore_mem>>) src(%dma_wait3A_110 : memref<1000000x64xf32, #tpu.memory_space<hbm>>) dst(%dma_wait3A_104 : memref<104x64xf32, #tpu.memory_space<vmem>>)
      %scan3A_113 = arith.constant 0 : i32
      %scan3A_114 = arith.constant 200 : i32
      %scan3A_115 = arith.addi %scan3A_113, %scan3A_114 : i32
      %scan3A_116 = arith.constant 1 : i32
      %scan3A_117:4 = scf.for %scan3A_198 = %scan3A_113 to %scan3A_115 step %scan3A_116 iter_args(%scan3A_199 = %broadcast_in_dim3A_3, %scan3A_200 = %broadcast_in_dim3A_3, %scan3A_201 = %broadcast_in_dim3A_3, %scan3A_202 = %broadcast_in_dim3A_3) -> (vector<16xf32>, vector<16xf32>, vector<16xf32>, vector<16xf32>)  : i32 {
        %get3A_203 = arith.constant 0 : i32
        %get3A_204 = arith.index_cast %get3A_203 : i32 to index
        %get3A_205 = arith.index_cast %scan3A_198 : i32 to index
        %get3A_206 = arith.constant 0 : index
        %get3A_207 = tpu.vector_load %arg8[%get3A_204, %get3A_205, %get3A_206] {strides = array<i32>} : memref<2x200x64xf32, #tpu.memory_space<vmem>>, vector<16xf32>,
        %add3A_208 = arith.addf %scan3A_199, %get3A_207 : vector<16xf32>
        %get3A_209 = arith.constant 0 : i32
        %get3A_210 = arith.index_cast %get3A_209 : i32 to index
        %get3A_211 = arith.index_cast %scan3A_198 : i32 to index
        %get3A_212 = arith.constant 16 : index
        %get3A_213 = tpu.vector_load %arg8[%get3A_210, %get3A_211, %get3A_212] {strides = array<i32>} : memref<2x200x64xf32, #tpu.memory_space<vmem>>, vector<16xf32>,
        %add3A_214 = arith.addf %scan3A_200, %get3A_213 : vector<16xf32>
        %get3A_215 = arith.constant 0 : i32
        %get3A_216 = arith.index_cast %get3A_215 : i32 to index
        %get3A_217 = arith.index_cast %scan3A_198 : i32 to index
        %get3A_218 = arith.constant 32 : index
        %get3A_219 = tpu.vector_load %arg8[%get3A_216, %get3A_217, %get3A_218] {strides = array<i32>} : memref<2x200x64xf32, #tpu.memory_space<vmem>>, vector<16xf32>,
        %add3A_220 = arith.addf %scan3A_201, %get3A_219 : vector<16xf32>
        %get3A_221 = arith.constant 0 : i32
        %get3A_222 = arith.index_cast %get3A_221 : i32 to index
        %get3A_223 = arith.index_cast %scan3A_198 : i32 to index
        %get3A_224 = arith.constant 48 : index
        %get3A_225 = tpu.vector_load %arg8[%get3A_222, %get3A_223, %get3A_224] {strides = array<i32>} : memref<2x200x64xf32, #tpu.memory_space<vmem>>, vector<16xf32>,
        %add3A_226 = arith.addf %scan3A_202, %get3A_225 : vector<16xf32>
        scf.yield %add3A_208, %add3A_214, %add3A_220, %add3A_226 : vector<16xf32>, vector<16xf32>, vector<16xf32>, vector<16xf32>
      }
      %scan3A_118 = arith.constant 200 : i32
      %get3A = arith.index_cast %mul3A_55 : i32 to index
      %get3A_119 = arith.constant 0 : index
      %get3A_120 = tpu.vector_load %arg7[%get3A, %get3A_119] {strides = array<i32>} : memref<128x16xf32, #tpu.memory_space<vmem>>, vector<16xf32>,
      %mul3A_121 = arith.mulf %scan3A_117#0, %get3A_120 : vector<16xf32>
      %swap3A = arith.index_cast %mul3A_55 : i32 to index
      %swap3A_122 = arith.constant 0 : index
      %swap3A_123 = tpu.vector_load %arg9[%swap3A, %swap3A_122] {strides = array<i32>} : memref<128x64xf32, #tpu.memory_space<vmem>>, vector<16xf32>,
      tpu.vector_store %arg9[%swap3A, %swap3A_122], %mul3A_121 {strides = array<i32>} : memref<128x64xf32, #tpu.memory_space<vmem>>, vector<16xf32>,
      %mul3A_124 = arith.mulf %scan3A_117#1, %get3A_120 : vector<16xf32>
      %swap3A_125 = arith.index_cast %mul3A_55 : i32 to index
      %swap3A_126 = arith.constant 16 : index
      %swap3A_127 = tpu.vector_load %arg9[%swap3A_125, %swap3A_126] {strides = array<i32>} : memref<128x64xf32, #tpu.memory_space<vmem>>, vector<16xf32>,
      tpu.vector_store %arg9[%swap3A_125, %swap3A_126], %mul3A_124 {strides = array<i32>} : memref<128x64xf32, #tpu.memory_space<vmem>>, vector<16xf32>,
      %mul3A_128 = arith.mulf %scan3A_117#2, %get3A_120 : vector<16xf32>
      %swap3A_129 = arith.index_cast %mul3A_55 : i32 to index
      %swap3A_130 = arith.constant 32 : index
      %swap3A_131 = tpu.vector_load %arg9[%swap3A_129, %swap3A_130] {strides = array<i32>} : memref<128x64xf32, #tpu.memory_space<vmem>>, vector<16xf32>,
      tpu.vector_store %arg9[%swap3A_129, %swap3A_130], %mul3A_128 {strides = array<i32>} : memref<128x64xf32, #tpu.memory_space<vmem>>, vector<16xf32>,
      %mul3A_132 = arith.mulf %scan3A_117#3, %get3A_120 : vector<16xf32>
      %swap3A_133 = arith.index_cast %mul3A_55 : i32 to index
      %swap3A_134 = arith.constant 48 : index
      %swap3A_135 = tpu.vector_load %arg9[%swap3A_133, %swap3A_134] {strides = array<i32>} : memref<128x64xf32, #tpu.memory_space<vmem>>, vector<16xf32>,
      tpu.vector_store %arg9[%swap3A_133, %swap3A_134], %mul3A_132 {strides = array<i32>} : memref<128x64xf32, #tpu.memory_space<vmem>>, vector<16xf32>,
      %add3A_136 = arith.constant 2 : i32
      %add3A_137 = arith.addi %mul3A_55, %add3A_136 : i32
      %lt3A = arith.constant 128 : i32
      %lt3A_138 = arith.cmpi slt, %add3A_137, %lt3A : i32
      %convert_element_type3A = arith.extui %lt3A_138 : i1 to i32
      %cond3A = arith.constant 0 : i32
      %cond3A_139 = arith.cmpi ne, %convert_element_type3A, %cond3A : i32
      scf.if %cond3A_139 {
        %add3A_198 = arith.constant 2 : i32
        %add3A_199 = arith.addi %mul3A_55, %add3A_198 : i32
        %dma_start3A_200 = arith.constant 0 : i32
        %dma_start3A_201 = arith.constant 0 : i32
        %dma_start3A_202 = arith.constant 0 : i32
        %dma_start3A_203 = arith.constant 0 : i32
        %dma_start3A_204 = tpu.memref_slice %arg8[%dma_start3A_200, %dma_start3A_202, %dma_start3A_203] : memref<2x200x64xf32, #tpu.memory_space<vmem>> -> memref<1x96x64xf32, #tpu.memory_space<vmem>>
        %dma_start3A_205 = tpu.memref_squeeze %dma_start3A_204 : memref<1x96x64xf32, #tpu.memory_space<vmem>> -> memref<96x64xf32, #tpu.memory_space<vmem>>
        %dma_start3A_206 = arith.constant 0 : i32
        %dma_start3A_207 = tpu.memref_slice %arg6[%add3A_199, %dma_start3A_206] : memref<128x256xi32, #tpu.memory_space<vmem>> -> memref<1x96xi32, #tpu.memory_space<vmem>>
        %dma_start3A_208 = tpu.memref_squeeze %dma_start3A_207 : memref<1x96xi32, #tpu.memory_space<vmem>> -> memref<96xi32, #tpu.memory_space<vmem>>
        %dma_start3A_209 = arith.constant 0 : i32
        %dma_start3A_210 = arith.constant 0 : i32
        %dma_start3A_211 = tpu.memref_slice %arg3[%dma_start3A_209, %dma_start3A_210] : memref<1000000x64xf32, #tpu.memory_space<hbm>> -> memref<1000000x64xf32, #tpu.memory_space<hbm>>
        %dma_start3A_212 = tpu.memref_slice %arg10[%dma_start3A_201] : memref<2x!tpu.dma_semaphore, #tpu.memory_space<semaphore_mem>> -> memref<1x!tpu.dma_semaphore, #tpu.memory_space<semaphore_mem>>
        %dma_start3A_213 = tpu.memref_squeeze %dma_start3A_212 : memref<1x!tpu.dma_semaphore, #tpu.memory_space<semaphore_mem>> -> memref<!tpu.dma_semaphore, #tpu.memory_space<semaphore_mem>>
        tpu.enqueue_indirect_dma source(%dma_start3A_211 : memref<1000000x64xf32, #tpu.memory_space<hbm>>) target(%dma_start3A_205 : memref<96x64xf32, #tpu.memory_space<vmem>>) offsets(%dma_start3A_208 : memref<96xi32, #tpu.memory_space<vmem>>) semaphore(%dma_start3A_213 : memref<!tpu.dma_semaphore, #tpu.memory_space<semaphore_mem>>)
        %dma_start3A_214 = arith.constant 0 : i32
        %dma_start3A_215 = arith.constant 0 : i32
        %dma_start3A_216 = arith.constant 96 : i32
        %dma_start3A_217 = arith.constant 0 : i32
        %dma_start3A_218 = tpu.memref_slice %arg8[%dma_start3A_214, %dma_start3A_216, %dma_start3A_217] : memref<2x200x64xf32, #tpu.memory_space<vmem>> -> memref<1x104x64xf32, #tpu.memory_space<vmem>>
        %dma_start3A_219 = tpu.memref_squeeze %dma_start3A_218 : memref<1x104x64xf32, #tpu.memory_space<vmem>> -> memref<104x64xf32, #tpu.memory_space<vmem>>
        %dma_start3A_220 = arith.constant 96 : i32
        %dma_start3A_221 = tpu.memref_slice %arg6[%add3A_199, %dma_start3A_220] : memref<128x256xi32, #tpu.memory_space<vmem>> -> memref<1x104xi32, #tpu.memory_space<vmem>>
        %dma_start3A_222 = tpu.memref_squeeze %dma_start3A_221 : memref<1x104xi32, #tpu.memory_space<vmem>> -> memref<104xi32, #tpu.memory_space<vmem>>
        %dma_start3A_223 = arith.constant 0 : i32
        %dma_start3A_224 = arith.constant 0 : i32
        %dma_start3A_225 = tpu.memref_slice %arg3[%dma_start3A_223, %dma_start3A_224] : memref<1000000x64xf32, #tpu.memory_space<hbm>> -> memref<1000000x64xf32, #tpu.memory_space<hbm>>
        %dma_start3A_226 = tpu.memref_slice %arg10[%dma_start3A_215] : memref<2x!tpu.dma_semaphore, #tpu.memory_space<semaphore_mem>> -> memref<1x!tpu.dma_semaphore, #tpu.memory_space<semaphore_mem>>
        %dma_start3A_227 = tpu.memref_squeeze %dma_start3A_226 : memref<1x!tpu.dma_semaphore, #tpu.memory_space<semaphore_mem>> -> memref<!tpu.dma_semaphore, #tpu.memory_space<semaphore_mem>>
        tpu.enqueue_indirect_dma source(%dma_start3A_225 : memref<1000000x64xf32, #tpu.memory_space<hbm>>) target(%dma_start3A_219 : memref<104x64xf32, #tpu.memory_space<vmem>>) offsets(%dma_start3A_222 : memref<104xi32, #tpu.memory_space<vmem>>) semaphore(%dma_start3A_227 : memref<!tpu.dma_semaphore, #tpu.memory_space<semaphore_mem>>)
      } else {
      }
      %add3A_140 = arith.constant 1 : i32
      %add3A_141 = arith.addi %mul3A_55, %add3A_140 : i32
      %dma_wait3A_142 = arith.constant 1 : i32
      %dma_wait3A_143 = arith.constant 1 : i32
      %dma_wait3A_144 = arith.constant 0 : i32
      %dma_wait3A_145 = arith.constant 0 : i32
      %dma_wait3A_146 = tpu.memref_slice %arg8[%dma_wait3A_142, %dma_wait3A_144, %dma_wait3A_145] : memref<2x200x64xf32, #tpu.memory_space<vmem>> -> memref<1x96x64xf32, #tpu.memory_space<vmem>>
      %dma_wait3A_147 = tpu.memref_squeeze %dma_wait3A_146 : memref<1x96x64xf32, #tpu.memory_space<vmem>> -> memref<96x64xf32, #tpu.memory_space<vmem>>
      %dma_wait3A_148 = arith.constant 0 : i32
      %dma_wait3A_149 = tpu.memref_slice %arg6[%add3A_141, %dma_wait3A_148] : memref<128x256xi32, #tpu.memory_space<vmem>> -> memref<1x96xi32, #tpu.memory_space<vmem>>
      %dma_wait3A_150 = tpu.memref_squeeze %dma_wait3A_149 : memref<1x96xi32, #tpu.memory_space<vmem>> -> memref<96xi32, #tpu.memory_space<vmem>>
      %dma_wait3A_151 = arith.constant 0 : i32
      %dma_wait3A_152 = arith.constant 0 : i32
      %dma_wait3A_153 = tpu.memref_slice %arg3[%dma_wait3A_151, %dma_wait3A_152] : memref<1000000x64xf32, #tpu.memory_space<hbm>> -> memref<1000000x64xf32, #tpu.memory_space<hbm>>
      %dma_wait3A_154 = tpu.memref_slice %arg10[%dma_wait3A_143] : memref<2x!tpu.dma_semaphore, #tpu.memory_space<semaphore_mem>> -> memref<1x!tpu.dma_semaphore, #tpu.memory_space<semaphore_mem>>
      %dma_wait3A_155 = tpu.memref_squeeze %dma_wait3A_154 : memref<1x!tpu.dma_semaphore, #tpu.memory_space<semaphore_mem>> -> memref<!tpu.dma_semaphore, #tpu.memory_space<semaphore_mem>>
      tpu.wait_indirect_dma semaphore(%dma_wait3A_155 : memref<!tpu.dma_semaphore, #tpu.memory_space<semaphore_mem>>) src(%dma_wait3A_153 : memref<1000000x64xf32, #tpu.memory_space<hbm>>) dst(%dma_wait3A_147 : memref<96x64xf32, #tpu.memory_space<vmem>>)
      %dma_wait3A_156 = arith.constant 1 : i32
      %dma_wait3A_157 = arith.constant 1 : i32
      %dma_wait3A_158 = arith.constant 96 : i32
      %dma_wait3A_159 = arith.constant 0 : i32
      %dma_wait3A_160 = tpu.memref_slice %arg8[%dma_wait3A_156, %dma_wait3A_158, %dma_wait3A_159] : memref<2x200x64xf32, #tpu.memory_space<vmem>> -> memref<1x104x64xf32, #tpu.memory_space<vmem>>
      %dma_wait3A_161 = tpu.memref_squeeze %dma_wait3A_160 : memref<1x104x64xf32, #tpu.memory_space<vmem>> -> memref<104x64xf32, #tpu.memory_space<vmem>>
      %dma_wait3A_162 = arith.constant 96 : i32
      %dma_wait3A_163 = tpu.memref_slice %arg6[%add3A_141, %dma_wait3A_162] : memref<128x256xi32, #tpu.memory_space<vmem>> -> memref<1x104xi32, #tpu.memory_space<vmem>>
      %dma_wait3A_164 = tpu.memref_squeeze %dma_wait3A_163 : memref<1x104xi32, #tpu.memory_space<vmem>> -> memref<104xi32, #tpu.memory_space<vmem>>
      %dma_wait3A_165 = arith.constant 0 : i32
      %dma_wait3A_166 = arith.constant 0 : i32
      %dma_wait3A_167 = tpu.memref_slice %arg3[%dma_wait3A_165, %dma_wait3A_166] : memref<1000000x64xf32, #tpu.memory_space<hbm>> -> memref<1000000x64xf32, #tpu.memory_space<hbm>>
      %dma_wait3A_168 = tpu.memref_slice %arg10[%dma_wait3A_157] : memref<2x!tpu.dma_semaphore, #tpu.memory_space<semaphore_mem>> -> memref<1x!tpu.dma_semaphore, #tpu.memory_space<semaphore_mem>>
      %dma_wait3A_169 = tpu.memref_squeeze %dma_wait3A_168 : memref<1x!tpu.dma_semaphore, #tpu.memory_space<semaphore_mem>> -> memref<!tpu.dma_semaphore, #tpu.memory_space<semaphore_mem>>
      tpu.wait_indirect_dma semaphore(%dma_wait3A_169 : memref<!tpu.dma_semaphore, #tpu.memory_space<semaphore_mem>>) src(%dma_wait3A_167 : memref<1000000x64xf32, #tpu.memory_space<hbm>>) dst(%dma_wait3A_161 : memref<104x64xf32, #tpu.memory_space<vmem>>)
      %add3A_170 = arith.constant 1 : i32
      %add3A_171 = arith.addi %mul3A_55, %add3A_170 : i32
      %scan3A_172 = arith.constant 0 : i32
      %scan3A_173 = arith.constant 200 : i32
      %scan3A_174 = arith.addi %scan3A_172, %scan3A_173 : i32
      %scan3A_175 = arith.constant 1 : i32
      %scan3A_176:4 = scf.for %scan3A_198 = %scan3A_172 to %scan3A_174 step %scan3A_175 iter_args(%scan3A_199 = %broadcast_in_dim3A_3, %scan3A_200 = %broadcast_in_dim3A_3, %scan3A_201 = %broadcast_in_dim3A_3, %scan3A_202 = %broadcast_in_dim3A_3) -> (vector<16xf32>, vector<16xf32>, vector<16xf32>, vector<16xf32>)  : i32 {
        %get3A_203 = arith.constant 1 : i32
        %get3A_204 = arith.index_cast %get3A_203 : i32 to index
        %get3A_205 = arith.index_cast %scan3A_198 : i32 to index
        %get3A_206 = arith.constant 0 : index
        %get3A_207 = tpu.vector_load %arg8[%get3A_204, %get3A_205, %get3A_206] {strides = array<i32>} : memref<2x200x64xf32, #tpu.memory_space<vmem>>, vector<16xf32>,
        %add3A_208 = arith.addf %scan3A_199, %get3A_207 : vector<16xf32>
        %get3A_209 = arith.constant 1 : i32
        %get3A_210 = arith.index_cast %get3A_209 : i32 to index
        %get3A_211 = arith.index_cast %scan3A_198 : i32 to index
        %get3A_212 = arith.constant 16 : index
        %get3A_213 = tpu.vector_load %arg8[%get3A_210, %get3A_211, %get3A_212] {strides = array<i32>} : memref<2x200x64xf32, #tpu.memory_space<vmem>>, vector<16xf32>,
        %add3A_214 = arith.addf %scan3A_200, %get3A_213 : vector<16xf32>
        %get3A_215 = arith.constant 1 : i32
        %get3A_216 = arith.index_cast %get3A_215 : i32 to index
        %get3A_217 = arith.index_cast %scan3A_198 : i32 to index
        %get3A_218 = arith.constant 32 : index
        %get3A_219 = tpu.vector_load %arg8[%get3A_216, %get3A_217, %get3A_218] {strides = array<i32>} : memref<2x200x64xf32, #tpu.memory_space<vmem>>, vector<16xf32>,
        %add3A_220 = arith.addf %scan3A_201, %get3A_219 : vector<16xf32>
        %get3A_221 = arith.constant 1 : i32
        %get3A_222 = arith.index_cast %get3A_221 : i32 to index
        %get3A_223 = arith.index_cast %scan3A_198 : i32 to index
        %get3A_224 = arith.constant 48 : index
        %get3A_225 = tpu.vector_load %arg8[%get3A_222, %get3A_223, %get3A_224] {strides = array<i32>} : memref<2x200x64xf32, #tpu.memory_space<vmem>>, vector<16xf32>,
        %add3A_226 = arith.addf %scan3A_202, %get3A_225 : vector<16xf32>
        scf.yield %add3A_208, %add3A_214, %add3A_220, %add3A_226 : vector<16xf32>, vector<16xf32>, vector<16xf32>, vector<16xf32>
      }
      %scan3A_177 = arith.constant 200 : i32
      %get3A_178 = arith.index_cast %add3A_171 : i32 to index
      %get3A_179 = arith.constant 0 : index
      %get3A_180 = tpu.vector_load %arg7[%get3A_178, %get3A_179] {strides = array<i32>} : memref<128x16xf32, #tpu.memory_space<vmem>>, vector<16xf32>,
      %mul3A_181 = arith.mulf %scan3A_176#0, %get3A_180 : vector<16xf32>
      %swap3A_182 = arith.index_cast %add3A_171 : i32 to index
      %swap3A_183 = arith.constant 0 : index
      %swap3A_184 = tpu.vector_load %arg9[%swap3A_182, %swap3A_183] {strides = array<i32>} : memref<128x64xf32, #tpu.memory_space<vmem>>, vector<16xf32>,
      tpu.vector_store %arg9[%swap3A_182, %swap3A_183], %mul3A_181 {strides = array<i32>} : memref<128x64xf32, #tpu.memory_space<vmem>>, vector<16xf32>,
      %mul3A_185 = arith.mulf %scan3A_176#1, %get3A_180 : vector<16xf32>
      %swap3A_186 = arith.index_cast %add3A_171 : i32 to index
      %swap3A_187 = arith.constant 16 : index
      %swap3A_188 = tpu.vector_load %arg9[%swap3A_186, %swap3A_187] {strides = array<i32>} : memref<128x64xf32, #tpu.memory_space<vmem>>, vector<16xf32>,
      tpu.vector_store %arg9[%swap3A_186, %swap3A_187], %mul3A_185 {strides = array<i32>} : memref<128x64xf32, #tpu.memory_space<vmem>>, vector<16xf32>,
      %mul3A_189 = arith.mulf %scan3A_176#2, %get3A_180 : vector<16xf32>
      %swap3A_190 = arith.index_cast %add3A_171 : i32 to index
      %swap3A_191 = arith.constant 32 : index
      %swap3A_192 = tpu.vector_load %arg9[%swap3A_190, %swap3A_191] {strides = array<i32>} : memref<128x64xf32, #tpu.memory_space<vmem>>, vector<16xf32>,
      tpu.vector_store %arg9[%swap3A_190, %swap3A_191], %mul3A_189 {strides = array<i32>} : memref<128x64xf32, #tpu.memory_space<vmem>>, vector<16xf32>,
      %mul3A_193 = arith.mulf %scan3A_176#3, %get3A_180 : vector<16xf32>
      %swap3A_194 = arith.index_cast %add3A_171 : i32 to index
      %swap3A_195 = arith.constant 48 : index
      %swap3A_196 = tpu.vector_load %arg9[%swap3A_194, %swap3A_195] {strides = array<i32>} : memref<128x64xf32, #tpu.memory_space<vmem>>, vector<16xf32>,
      tpu.vector_store %arg9[%swap3A_194, %swap3A_195], %mul3A_193 {strides = array<i32>} : memref<128x64xf32, #tpu.memory_space<vmem>>, vector<16xf32>,
      %scan3A_197 = arith.constant 0 : i32
      scf.yield %scan3A_197 : i32
    }
    %scan3A_51 = arith.constant 64 : i32
    "tpu.region"() ({
      %run_scoped3A = tpu.sem_alloc : memref<!tpu.dma_semaphore, #tpu.memory_space<semaphore_mem>>
      %dma_start3A_52 = arith.constant 0 : i32
      %dma_start3A_53 = tpu.memref_slice %arg4[%mul3A_2, %dma_start3A_52] : memref<4096x64xf32, #tpu.memory_space<hbm>> -> memref<128x64xf32, #tpu.memory_space<hbm>>
      %dma_start3A_54 = arith.constant 0 : i32
      %dma_start3A_55 = tpu.memref_slice %arg4[%mul3A_2, %dma_start3A_54] : memref<4096x64xf32, #tpu.memory_space<hbm>> -> memref<128x64xf32, #tpu.memory_space<hbm>>
      tpu.enqueue_dma source(%arg9 : memref<128x64xf32, #tpu.memory_space<vmem>>) target(%dma_start3A_55 : memref<128x64xf32, #tpu.memory_space<hbm>>) target_semaphore(%run_scoped3A : memref<!tpu.dma_semaphore, #tpu.memory_space<semaphore_mem>>)
      %dma_wait3A = arith.constant 0 : i32
      %dma_wait3A_56 = tpu.memref_slice %arg4[%mul3A_2, %dma_wait3A] : memref<4096x64xf32, #tpu.memory_space<hbm>> -> memref<128x64xf32, #tpu.memory_space<hbm>>
      %dma_wait3A_57 = arith.constant 0 : i32
      %dma_wait3A_58 = tpu.memref_slice %arg4[%mul3A_2, %dma_wait3A_57] : memref<4096x64xf32, #tpu.memory_space<hbm>> -> memref<128x64xf32, #tpu.memory_space<hbm>>
      tpu.wait_dma2 semaphore(%run_scoped3A : memref<!tpu.dma_semaphore, #tpu.memory_space<semaphore_mem>>) src(%arg9 : memref<128x64xf32, #tpu.memory_space<vmem>>) dst(%dma_wait3A_58 : memref<128x64xf32, #tpu.memory_space<hbm>>)
      tpu.yield
    }) : () -> ()
    return
  }
}

</mosaic_0001>

<sc_bundles>
// kernel: kernel.3.cloned.1.call-start
scs
__scs_entry_jumppad:
0x0: {  	(pc) =	sbr.rel $0x88, $3  }
0x1: {  	(tag) =	ssettag $0x0;
	lr =	simm.s32 $0x1  }
0x2: {  	[smem:$0x3F9F] =	sst lr;
	_ =	strace $0xD0000000  }
0x3: {  	_ = 	snop  }
0x4: {  	_ = 	snop  }
0x5: {  	_ = 	snop  }
0x6: {  	_ = 	snop  }
0x7: {  	_ = 	snop  }
__scs_overlays_trampoline_lowered:
0x8: {  	[smem:$0x3FAE] =	sst s0  }
0x9: {  	[smem:$0x3FAF] =	sst s1  }
0xa: {  	[smem:$0x3FB0] =	sst s2  }
0xb: {  	[smem:$0x3FB1] =	sst s3  }
0xc: {  	[smem:$0x3FB2] =	sst s4  }
0xd: {  	[smem:$0x3FB3] =	sst s5  }
0xe: {  	[smem:$0x3FB4] =	sst s6  }
0xf: {  	[smem:$0x3FB5] =	sst s7  }
0x10: {  	[smem:$0x3FB6] =	sst s8  }
0x11: {  	[smem:$0x3FB7] =	sst s9;
	s0 =	simm.s32 @!p0 $0x0  }
0x12: {  	s1 =	sld [smem:$0x3F9D];
	s0 =	simm.s32 @p0 $0x1  }
0x13: {  	[smem:$0x3FB8] =	sst s0;
	s0 =	simm.s32 @!p1 $0x0  }
0x14: {  	s2 =	sld [smem:$0x3F9C];
	s0 =	simm.s32 @p1 $0x1  }
0x15: {  	[smem:$0x3FB9] =	sst s0;
	s0 =	simm.s32 @!p2 $0x0  }
0x16: {  	s3 =	sld [smem:$0x3FDB];
	s0 =	simm.s32 @p2 $0x1  }
0x17: {  	s4 =	simm.s32 $0x1BF5;
	[smem:$0x3FBB] =	sst s0  }
0x18: {  	s0 =	sld [smem:$0x3F9E];
	_ =	swait.ge [sflag:s4], $0x0  }
0x19: {  	s7 =	sld [smem:$0x3F9F]  }
0x1a: {  	s8 =	sadd.s32 $0xFFFFE003, lr  }
0x1b: {  	s9 =	sadd.s32 $0xFFFFFEF7, lr;
	s5 =	simm.s32 $0xFFFFFFFF;
	p2 =	slt.u32 s8, $0xFFFFF086  }
0x1c: {  	p1 =	slt.u32 s9, $0xF7A;
	s5 =	simm.s32 @!p2 $0x0  }
0x1d: {  	s5 =	simm.s32 @p1 $0x1;
	p0 =	seq.s32 s7, s2  }
0x1e: {  	s7 =	smul.u32 @!p0 $0xF7A, s2;
	p2 =	seq.s32 @!p0 s5, $0x0  }
0x1f: {  	s9 =	smul.u32 $0xF7A, s1;
	s8 =	simm.s32 @!p0 $0x1BF5;
	p2 =	por !p2, p0  }
0x20: {  	[sflag:s8] =	ssyncset.s32 @!p0 $0xFFFFF086;
	s6 =	sadd.s32 @!p0 s3, s7;
	s7 =	simm.s32 @!p0 $0x108  }
0x21: {  	s3 =	sadd.s32 s3, s9;
	s6 =	sadd.s32 @!p0 $0x88, s6;
	s7 =	simm.s32 @p2 $0x1082  }
0x22: {  	[simem:s7], [sflag:s8] =	dma.local @!p0 [hbm:s6], $0xF7A  }
0x23: {  	s9 =	sor.u32 $0xD0000000, s2;
	s6 =	simm.s32 $0x108;
	_ =	swait.ge @!p0 [sflag:s8], $0x0  }
0x24: {  	s3 =	sadd.s32 $0x88, s3;
	s6 =	simm.s32 @!p1 $0x1082;
	[sflag:s4] =	ssyncset.s32 $0xFFFFF086  }
0x25: {  	[simem:s6], [sflag:s4] =	dma.local [hbm:s3], $0xF7A  }
0x26: {  	[smem:$0x3F9F] =	sst s1;
	(tag) =	ssettag s2;
	_ =	strace s9  }
0x27: {  	s1 =	sld [smem:$0x3FAF]  }
0x28: {  	s2 =	sld [smem:$0x3FB0]  }
0x29: {  	s4 =	sld [smem:$0x3FB2]  }
0x2a: {  	p0 =	seq.s32 s5, $0x0;
	s5 =	sld [smem:$0x3FB3]  }
0x2b: {  	s6 =	sld [smem:$0x3FB4]  }
0x2c: {  	s7 =	sld [smem:$0x3FB5]  }
0x2d: {  	s3 =	simm.s32 $0x108;
	s8 =	sld [smem:$0x3FB6]  }
0x2e: {  	s3 =	simm.s32 @!p0 $0x1082;
	s9 =	sld [smem:$0x3FB7]  }
0x2f: {  	lr =	sadd.s32 s0, s3;
	s0 =	sld [smem:$0x3FAE]  }
0x30: {  	s3 =	sld [smem:$0x3FB1]  }
0x31: {  	[smem:$0x3FBA] =	sst s10  }
0x32: {  	s10 =	sld [smem:$0x3FB8];
	_ =	sdelay $0x3  }
0x33: {  	p0 =	seq.s32 s10, $0x1;
	s10 =	sld [smem:$0x3FBA];
	_ =	sdelay $0x3  }
0x34: {  	[smem:$0x3FBA] =	sst s10  }
0x35: {  	s10 =	sld [smem:$0x3FB9];
	_ =	sdelay $0x3  }
0x36: {  	p1 =	seq.s32 s10, $0x1;
	s10 =	sld [smem:$0x3FBA];
	_ =	sdelay $0x3  }
0x37: {  	[smem:$0x3FBA] =	sst s10  }
0x38: {  	s10 =	sld [smem:$0x3FBB]  }
0x39: {  	_ = 	snop;
	(pc) =	sbr.ind lr, $3  }
0x3a: {  	_ = 	snop  }
0x3b: {  	_ = 	snop  }
0x3c: {  	p2 =	seq.s32 s10, $0x1;
	s10 =	sld [smem:$0x3FBA]  }
0x3d: {  	_ =	shalt  }
0x3e: {  	_ =	shalt  }
0x3f: {  	_ =	shalt  }
0x40: {  	_ =	shalt  }
0x41: {  	_ =	shalt  }
0x42: {  	_ =	shalt  }
0x43: {  	_ =	shalt  }
0x44: {  	_ =	shalt  }
0x45: {  	_ =	shalt  }
0x46: {  	_ =	shalt  }
0x47: {  	_ =	shalt  }
0x48: {  	_ =	shalt  }
0x49: {  	_ =	shalt  }
0x4a: {  	_ =	shalt  }
0x4b: {  	_ =	shalt  }
0x4c: {  	_ =	shalt  }
0x4d: {  	_ =	shalt  }
0x4e: {  	_ =	shalt  }
0x4f: {  	_ =	shalt  }
0x50: {  	_ =	shalt  }
0x51: {  	_ =	shalt  }
0x52: {  	_ =	shalt  }
0x53: {  	_ =	shalt  }
0x54: {  	_ =	shalt  }
0x55: {  	_ =	shalt  }
0x56: {  	_ =	shalt  }
0x57: {  	_ =	shalt  }
0x58: {  	_ =	shalt  }
0x59: {  	_ =	shalt  }
0x5a: {  	_ =	shalt  }
0x5b: {  	_ =	shalt  }
0x5c: {  	_ =	shalt  }
0x5d: {  	_ =	shalt  }
0x5e: {  	_ =	shalt  }
0x5f: {  	_ =	shalt  }
0x60: {  	_ =	shalt  }
0x61: {  	_ =	shalt  }
0x62: {  	_ =	shalt  }
0x63: {  	_ =	shalt  }
0x64: {  	_ =	shalt  }
0x65: {  	_ =	shalt  }
0x66: {  	_ =	shalt  }
0x67: {  	_ =	shalt  }
0x68: {  	_ =	shalt  }
0x69: {  	_ =	shalt  }
0x6a: {  	_ =	shalt  }
0x6b: {  	_ =	shalt  }
0x6c: {  	_ =	shalt  }
0x6d: {  	_ =	shalt  }
0x6e: {  	_ =	shalt  }
0x6f: {  	_ =	shalt  }
0x70: {  	_ =	shalt  }
0x71: {  	_ =	shalt  }
0x72: {  	_ =	shalt  }
0x73: {  	_ =	shalt  }
0x74: {  	_ =	shalt  }
0x75: {  	_ =	shalt  }
0x76: {  	_ =	shalt  }
0x77: {  	_ =	shalt  }
0x78: {  	_ =	shalt  }
0x79: {  	_ =	shalt  }
0x7a: {  	_ =	shalt  }
0x7b: {  	_ =	shalt  }
0x7c: {  	_ =	shalt  }
0x7d: {  	_ =	shalt  }
0x7e: {  	_ =	shalt  }
0x7f: {  	_ =	shalt  }
0x80: {  	_ =	shalt  }
0x81: {  	_ =	shalt  }
0x82: {  	_ =	shalt  }
0x83: {  	_ =	shalt  }
0x84: {  	_ =	shalt  }
0x85: {  	_ =	shalt  }
0x86: {  	_ =	shalt  }
0x87: {  	_ =	shalt  }
.Lfunc_end0:
.L_simem_size_0:
called_computation_lowered:
.L_overlay_start_0:
0x88: {  	s2 =	sld [smem:$0x3FD9]  }
0x89: {  	s3 =	sld [smem:$0x3FFE];
	_ =	sdelay $0x1  }
0x8a: {  	s1 =	srdreg.scid  }
0x8b: {  	s0 =	sand.u32 $0x1, s1  }
0x8c: {  	s17 =	sshll.u32 s0, $0xA;
	s2 =	sadd.s32 s3, s2  }
0x8d: {  	s2 =	sadd.s32 s2, s17  }
0x8e: {  	[smem:$0x3FC6] =	sst s2  }
0x8f: {  	_ = 	snop  }
0x90: {  	s2 =	sld [smem:$0x3FD0];
	(tm) =	ssettm $0x1  }
0x91: {  	s18 =	sld [smem:$0x3FFB];
	_ =	sdelay $0x3  }
0x92: {  	_ =	strace s18  }
0x93: {  	s3 =	sld [smem:$0x3FFC];
	_ =	sdelay $0x3  }
0x94: {  	_ =	strace s3  }
0x95: {  	s3 =	sld [smem:$0x3FFD];
	_ =	sdelay $0x3  }
0x96: {  	_ =	strace s3  }
0x97: {  	_ =	strace $0x8FFFFFFF  }
0x98: {  	s19 =	sld [smem:$0x3FDB];
	_ =	sdelay $0x1  }
0x99: {  	s4 =	simm.s32 $_scs_section_size  }
0x9a: {  	s5 =	simm.s32 $_size__tile_overlayer_lowered;
	s6 =	simm.s32 $_tile_overlayer_lowered  }
0x9b: {  	s22 =	simm.s32 $0x1BFF;
	s21 =	sshll.u32 s6, $0x1;
	s3 =	sadd.s32 s4, s19  }
0x9c: {  	s7 =	simm.s32 $0x0;
	s20 =	sshll.u32 s5, $0x1;
	s5 =	sadd.s32 s21, s3  }
0x9d: {  	[timem:s7], [sflag:s22] =	dma.local [hbm:s5], s20  }
0x9e: {  	_ =	swait.ge [sflag:s22], s20  }
0x9f: {  	s4 =	ssub.s32 $0x0, s20;
	[sflag:s22] =	ssyncset.done $0x0  }
0xa0: {  	[sflag:s22] =	ssyncadd.s32 s4;
	_ =	sdelay $0x1  }
0xa1: {  	s23 =	simm.s32 $0x1B8B  }
0xa2: {  	_ =	swait.ge [sflag:s23], $0x1  }
0xa3: {  	[sflag:s23] =	ssyncset.done $0x0  }
0xa4: {  	s25 =	simm.s32 $0x1B8E;
	s24 =	sld [smem:$0x3FFE];
	[sflag:s23] =	ssyncadd.s32 $0xFFFFFFFF  }
0xa5: {  	s26 =	simm.s32 $execute0_lowered;
	[smem:$0x3FD2] =	sst s25  }
0xa6: {  	s5 =	sshll.u32 s26, $0x1;
	_ =	strace $0x80000046;
	[dreg:$0x1] =	wrdreg $0xFFFFFFFF  }
0xa7: {  	s28 =	simm.s32 $_size_execute0_lowered;
	s3 =	sadd.s32 s3, s5;
	[dreg:$0x0] =	wrdreg $0x0  }
0xa8: {  	s5 =	sshll.u32 s28, $0x1;
	[dreg:$0x2] =	wrdreg s3  }
0xa9: {  	[dreg:$0x3] =	wrdreg s5  }
0xaa: {  	[dreg:$0x4] =	wrdreg $0xC0  }
0xab: {  	_ =	task [dreg:s7], $0x5FFFF  }
0xac: {  	[dreg:$0x1] =	wrdreg $0xFFFFFFFF  }
0xad: {  	[dreg:$0x0] =	wrdreg $0x60  }
0xae: {  	[dreg:$0x2] =	wrdreg s24  }
0xaf: {  	[dreg:$0x3] =	wrdreg s2  }
0xb0: {  	[dreg:$0x4] =	wrdreg $0x9  }
0xb1: {  	_ =	task.clear_ibuf [dreg:s7], $0x5FFFF;
	_ =	strace $0x90000046  }
0xb2: {  	s29 =	simm.s32 $0x9;
	_ =	strace $0x80000048  }
0xb3: {  	_ =	swait.ge [sflag:s29], $0x1  }
0xb4: {  	[sflag:s29] =	ssyncadd.s32 $0xFFFFFFFF  }
0xb5: {  	_ =	strace $0x90000048  }
0xb6: {  	_ =	sfence  }
0xb7: {  	s30 =	sld [smem:$0x0];
	_ =	sdelay $0x2  }
0xb8: {  	s31 =	sshll.u32 s1, $0xD;
	s1 =	sshrl.u32 s1, $0x2  }
0xb9: {  	s3 =	sand.u32 $0x4000, s31;
	s1 =	sadd.s32 s1, s30  }
0xba: {  	s0 =	sor.u32 s3, s0;
	s1 =	sshll.u32 s1, $0x11  }
0xbb: {  	s0 =	sor.u32 s1, s0  }
0xbc: {  	s0 =	sadd.s32 $0x8F2B, s0  }
0xbd: {  	[sflag:s0] =	ssyncadd.remote.s32 $0x1  }
0xbe: {  	_ =	sfence.sel $0xFFFF  }
0xbf: {  	[dreg:$0x0] =	wrdreg $0xFFFFFFFF;
	(pc) =	sbr.abs _section_cstart, $3  }
0xc0: {  	[dreg:$0x1] =	wrdreg $0xFFFFFFFF  }
0xc1: {  	_ =	task.clear_ibuf [dreg:s7], $0x2FFFF;
	_ =	strace $0x9FFFFFFF  }
0xc2: {  	(tm) =	ssettm $0x7FFFFFFF  }
0xc3: {  	_ =	shalt  }
tec
execute0_lowered:
.L_overlay_start_1:
0x0: {  	(tag) =	ssettag $0x1  }
0x1: {  	s1 =	srdreg.scid;
	s3 =	rddreg [dreg:$0x0]  }
0x2: {  	s0 =	stileid.u32;
	s5 =	rddreg [dreg:$0x1];
	s2 =	simm.s32 $0x0  }
0x3: {  	s9 =	simm.s32 $0x8000;
	s10 =	simm.s32 $0x10800;
	s11 =	simm.s32 $0x68  }
0x4: {  	s12 =	simm.s32 $0x8060;
	s13 =	simm.s32 $0x12000;
	s14 =	simm.s32 $0x13A00  }
0x5: {  	s15 =	simm.s32 $0x15200;
	s16 =	simm.s32 $0x1;
	s17 =	simm.s32 $0x2  }
0x6: {  	s18 =	simm.s32 $0x16C00;
	s19 =	simm.s32 $0x0;
	s4 =	sand.u32 $0x1, s1  }
0x7: {  	s6 =	sshll.u32 s0, $0x8;
	s1 =	rddreg [dreg:$0x2];
	s7 =	sshll.u32 s4, $0x7  }
0x8: {  	[smem:$0x7FF] =	sst s2;
	s4 =	ssub.s32 $0x2, s4;
	s6 =	sor.u32 s7, s6  }
0x9: {  	s8 =	sshrl.u32 s4, $0x1;
	s7 =	smul.u32 $0x19, s6;
	s6 =	sshll.u32 s6, $0x3  }
0xa: {  	v0 =	vlaneseq.u32;
	_ =	strace $0x80000047;
	s8 =	ssub.s32 s4, s8;
	s5 =	sadd.s32 s5, s6  }
0xb: {  	v0 =	vshrl.u32 v0, $0x3;
	s6 =	smax.u32 s8, $0x1;
	s8 =	simm.s32 $0x60;
	s7 =	sadd.s32 s7, s3  }
0xc: {  	v0 =	vmul.u32 $0xFFFFFFFF, v0;
	s3 =	sadd.s32 $0xF42A00, s3;
	s4 =	sadd.s32 $0x600, s7;
	s7 =	simm.s32 $0x3  }
.LBB2_1:
0xd: {  	s20 =	simm.s32 $0x19  }
0xe: {  	s23 =	sadd.s32 $0x0, s4;
	s21 =	simm.s32 $0x100;
	s22 =	simm.s32 $0x0  }
.LBB2_2:
0xf: {  	[tilespmem:s22], [sflag:$0x3] =	stream.linear.gather [hbm4b:s23+s2], $0xC8, $0x38;
	[tilespmem:$0x18C00] =	vst v63  }
0x10: {  	s23 =	smov.u32 s20;
	s22 =	smov.u32 s21;
	p0 =	sne.s32 s20, $0xC67  }
.Ltmp0:
0x11: {  	s20 =	sadd.s32 $0x19, s20;
	(pc) =	sbr.rel @p0 .LBB2_2-.Ltmp0, $2  }
0x12: {  	_ =	sdelay $0x2  }
0x13: {  	s21 =	sadd.s32 $0x100, s21;
	s23 =	sadd.s32 s23, s4  }
0x14: {  	[tilespmem:s22], [sflag:$0x3] =	stream.linear.gather [hbm4b:s23+s2], $0xC8, $0x38;
	[tilespmem:$0x18C00] =	vst v63  }
0x15: {  	_ =	swait.ge [sflag:s7], $0x6400  }
0x16: {  	[sflag:s7] =	ssyncset.done $0x0  }
0x17: {  	s21 =	simm.s32 $0x0;
	[sflag:s7] =	ssyncadd.s32 $0xFFFF9C00  }
0x18: {  	v1 =	vld [tilespmem:s21+$0xB8]  }
0x19: {  	v2 =	vld [tilespmem:s21+$0x0]  }
0x1a: {  	v3 =	vld [tilespmem:s21+$0x10]  }
0x1b: {  	v4 =	vld [tilespmem:s21+$0x20]  }
0x1c: {  	v5 =	vld [tilespmem:s21+$0x30]  }
0x1d: {  	v6 =	vld [tilespmem:s21+$0x40];
	vm0 =	vlt.s32 v1, $0x1  }
0x1e: {  	v8 =	vld [tilespmem:s21+$0x50];
	vm4 =	vlt.s32 v2, $0x1;
	v7 =	vnsel vm0, $0x1, v1  }
0x1f: {  	v10 =	vld [tilespmem:s21+$0x60];
	vm5 =	vlt.s32 v3, $0x1;
	v9 =	vnsel vm4, $0x1, v2;
	v7 =	vand.u32 v0, v7  }
0x20: {  	v11 =	vld [tilespmem:s21+$0x70];
	vm6 =	vlt.s32 v4, $0x1;
	v49 =	vnsel vm5, $0x1, v3;
	v7 =	vadd.s32 v9, v7  }
0x21: {  	v12 =	vld [tilespmem:s21+$0x80];
	vm7 =	vlt.s32 v5, $0x1;
	v50 =	vnsel vm6, $0x1, v4;
	v7 =	vadd.s32 v49, v7  }
0x22: {  	v13 =	vld [tilespmem:s21+$0x90];
	vm8 =	vlt.s32 v6, $0x1;
	v51 =	vnsel vm7, $0x1, v5;
	v7 =	vadd.s32 v50, v7  }
0x23: {  	v14 =	vld [tilespmem:s21+$0xA0];
	vm9 =	vlt.s32 v8, $0x1;
	v52 =	vnsel vm8, $0x1, v6;
	v7 =	vadd.s32 v51, v7  }
0x24: {  	v15 =	vld [tilespmem:s21+$0xB0];
	vm10 =	vlt.s32 v10, $0x1;
	v53 =	vnsel vm9, $0x1, v8;
	v7 =	vadd.s32 v52, v7  }
0x25: {  	vm11 =	vlt.s32 v11, $0x1;
	v54 =	vnsel vm10, $0x1, v10;
	v7 =	vadd.s32 v53, v7  }
0x26: {  	vm12 =	vlt.s32 v12, $0x1;
	v55 =	vnsel vm11, $0x1, v11;
	v7 =	vadd.s32 v54, v7  }
0x27: {  	vm13 =	vlt.s32 v13, $0x1;
	v56 =	vnsel vm12, $0x1, v12;
	v7 =	vadd.s32 v55, v7  }
0x28: {  	vm14 =	vlt.s32 v14, $0x1;
	v57 =	vnsel vm13, $0x1, v13;
	v7 =	vadd.s32 v56, v7  }
0x29: {  	vm15 =	vlt.s32 v15, $0x1;
	v58 =	vnsel vm14, $0x1, v14;
	v7 =	vadd.s32 v57, v7  }
0x2a: {  	v59 =	vnsel vm15, $0x1, v15;
	v7 =	vadd.s32 v58, v7  }
0x2b: {  	v7 =	vadd.s32 v59, v7  }
0x2c: {  	(xrf0) =	vadd.scan.msk.s32 $0xffff, v7;
	_ =	sdelay $0x5  }
0x2d: {  	v7, _, _ =	vpop (xrf0)  }
0x2e: {  	(v2sf) =	vpush v7, $0xF;
	_ =	sdelay $0xe  }
0x2f: {  	s20 =	spop (v2sf)  }
0x30: {  	s20 =	scvt.s32.f32 s20;
	_ =	sdelay $0x1  }
0x31: {  	s20 =	sadd.f32 $1.000000010e-10, s20;
	_ =	sdelay $0x1  }
0x32: {  	v60 =	vmov s20  }
0x33: {  	v61 =	vshra.s32 v60, $0x1;
	v7 =	vmul.f32 $5.000000000e-01, v60  }
0x34: {  	v9 =	vsub.s32 $0x5F3759DF, v61  }
0x35: {  	v16 =	vmul.f32 v9, v7;
	_ =	sdelay $0x1  }
0x36: {  	v16 =	vmul.f32 v9, v16;
	_ =	sdelay $0x1  }
0x37: {  	v16 =	vsub.f32 $1.500000000e+00, v16;
	_ =	sdelay $0x1  }
0x38: {  	v9 =	vmul.f32 v9, v16;
	_ =	sdelay $0x1  }
0x39: {  	v16 =	vmul.f32 v9, v7;
	_ =	sdelay $0x1  }
0x3a: {  	v16 =	vmul.f32 v16, v9;
	_ =	sdelay $0x1  }
0x3b: {  	v16 =	vsub.f32 $1.500000000e+00, v16;
	_ =	sdelay $0x1  }
0x3c: {  	v9 =	vmul.f32 v16, v9  }
0x3d: {  	[tilespmem:s21+$0x80B0] =	vst v15  }
0x3e: {  	[tilespmem:s21+$0x80A0] =	vst v14;
	v7 =	vmul.f32 v9, v7  }
0x3f: {  	[tilespmem:s21+$0x8090] =	vst v13  }
0x40: {  	[tilespmem:s21+$0x8080] =	vst v12;
	v7 =	vmul.f32 v7, v9  }
0x41: {  	[tilespmem:s21+$0x8070] =	vst v11  }
0x42: {  	[tilespmem:s21+$0x8060] =	vst v10;
	v7 =	vsub.f32 $1.500000000e+00, v7  }
0x43: {  	[tilespmem:s21+$0x8050] =	vst v8  }
0x44: {  	[tilespmem:s21+$0x8040] =	vst v6;
	v62 =	vmul.f32 v7, v9  }
0x45: {  	[tilespmem:s21+$0x8030] =	vst v5  }
0x46: {  	[tilespmem:s21+$0x8020] =	vst v4;
	v63 =	vmul.f32 s20, v62  }
0x47: {  	[tilespmem:s21+$0x8010] =	vst v3  }
0x48: {  	[tilespmem:s21+$0x8000] =	vst v2;
	v2 =	vmul.f32 $4.999999890e-03, v63  }
0x49: {  	[tilespmem:s21+$0x80B8] =	vst v1;
	s20 =	simm.s32 $0x10000  }
0x4a: {  	s22 =	simm.s32 $0x800;
	s21 =	simm.s32 $0x100;
	[tilespmem:s20+$0x0] =	vst v2  }
.LBB2_4:
0x4b: {  	p0 =	sne.s32 s22, $0x1FC00;
	v1 =	vld [tilespmem:s21+$0xB8]  }
0x4c: {  	v2 =	vld [tilespmem:s21+$0x0]  }
0x4d: {  	v3 =	vld [tilespmem:s21+$0x10]  }
0x4e: {  	v4 =	vld [tilespmem:s21+$0x20]  }
0x4f: {  	v5 =	vld [tilespmem:s21+$0x30]  }
0x50: {  	vm0 =	vlt.s32 v1, $0x1;
	v6 =	vld [tilespmem:s21+$0x40]  }
0x51: {  	v8 =	vnsel vm0, $0x1, v1;
	vm0 =	vlt.s32 v2, $0x1;
	v7 =	vld [tilespmem:s21+$0x50]  }
0x52: {  	v8 =	vand.u32 v0, v8;
	v9 =	vnsel vm0, $0x1, v2;
	vm0 =	vlt.s32 v3, $0x1;
	v10 =	vld [tilespmem:s21+$0x60]  }
0x53: {  	v8 =	vadd.s32 v9, v8;
	v9 =	vnsel vm0, $0x1, v3;
	vm0 =	vlt.s32 v4, $0x1;
	v11 =	vld [tilespmem:s21+$0x70]  }
0x54: {  	v8 =	vadd.s32 v9, v8;
	v9 =	vnsel vm0, $0x1, v4;
	vm0 =	vlt.s32 v5, $0x1;
	v12 =	vld [tilespmem:s21+$0x80]  }
0x55: {  	v8 =	vadd.s32 v9, v8;
	v9 =	vnsel vm0, $0x1, v5;
	vm0 =	vlt.s32 v6, $0x1;
	v13 =	vld [tilespmem:s21+$0x90]  }
0x56: {  	v8 =	vadd.s32 v9, v8;
	v9 =	vnsel vm0, $0x1, v6;
	vm0 =	vlt.s32 v7, $0x1;
	v14 =	vld [tilespmem:s21+$0xA0]  }
0x57: {  	v8 =	vadd.s32 v9, v8;
	v9 =	vnsel vm0, $0x1, v7;
	vm0 =	vlt.s32 v10, $0x1;
	v15 =	vld [tilespmem:s21+$0xB0]  }
0x58: {  	v8 =	vadd.s32 v9, v8;
	v9 =	vnsel vm0, $0x1, v10;
	vm0 =	vlt.s32 v11, $0x1  }
0x59: {  	v8 =	vadd.s32 v9, v8;
	v9 =	vnsel vm0, $0x1, v11;
	vm0 =	vlt.s32 v12, $0x1  }
0x5a: {  	v8 =	vadd.s32 v9, v8;
	v9 =	vnsel vm0, $0x1, v12;
	vm0 =	vlt.s32 v13, $0x1  }
0x5b: {  	v8 =	vadd.s32 v9, v8;
	v9 =	vnsel vm0, $0x1, v13;
	vm0 =	vlt.s32 v14, $0x1  }
0x5c: {  	v8 =	vadd.s32 v9, v8;
	v9 =	vnsel vm0, $0x1, v14;
	vm0 =	vlt.s32 v15, $0x1;
	[tilespmem:s21+$0x80B0] =	vst v15  }
0x5d: {  	v8 =	vadd.s32 v9, v8;
	v9 =	vnsel vm0, $0x1, v15  }
0x5e: {  	v8 =	vadd.s32 v9, v8  }
0x5f: {  	(xrf0) =	vadd.scan.msk.s32 $0xffff, v8;
	_ =	sdelay $0x5  }
0x60: {  	v8, _, _ =	vpop (xrf0)  }
0x61: {  	(v2sf) =	vpush v8, $0xF;
	_ =	sdelay $0xe  }
0x62: {  	s23 =	spop (v2sf)  }
0x63: {  	s23 =	scvt.s32.f32 s23;
	_ =	sdelay $0x1  }
0x64: {  	s23 =	sadd.f32 $1.000000010e-10, s23;
	_ =	sdelay $0x1  }
0x65: {  	v8 =	vmov s23  }
0x66: {  	v9 =	vshra.s32 v8, $0x1;
	v8 =	vmul.f32 $5.000000000e-01, v8  }
0x67: {  	v9 =	vsub.s32 $0x5F3759DF, v9  }
0x68: {  	v15 =	vmul.f32 v9, v8;
	_ =	sdelay $0x1  }
0x69: {  	v15 =	vmul.f32 v9, v15;
	_ =	sdelay $0x1  }
0x6a: {  	v15 =	vsub.f32 $1.500000000e+00, v15;
	_ =	sdelay $0x1  }
0x6b: {  	v9 =	vmul.f32 v9, v15;
	_ =	sdelay $0x1  }
0x6c: {  	v15 =	vmul.f32 v9, v8;
	_ =	sdelay $0x1  }
0x6d: {  	v15 =	vmul.f32 v15, v9;
	_ =	sdelay $0x1  }
0x6e: {  	v15 =	vsub.f32 $1.500000000e+00, v15;
	_ =	sdelay $0x1  }
0x6f: {  	v9 =	vmul.f32 v15, v9;
	_ =	sdelay $0x1  }
0x70: {  	[tilespmem:s21+$0x80A0] =	vst v14;
	v8 =	vmul.f32 v9, v8  }
0x71: {  	[tilespmem:s21+$0x8090] =	vst v13  }
0x72: {  	[tilespmem:s21+$0x8080] =	vst v12;
	v8 =	vmul.f32 v8, v9  }
0x73: {  	[tilespmem:s21+$0x8070] =	vst v11  }
0x74: {  	[tilespmem:s21+$0x8060] =	vst v10;
	v8 =	vsub.f32 $1.500000000e+00, v8  }
0x75: {  	[tilespmem:s21+$0x8050] =	vst v7  }
0x76: {  	[tilespmem:s21+$0x8040] =	vst v6;
	v6 =	vmul.f32 v8, v9  }
0x77: {  	[tilespmem:s21+$0x8030] =	vst v5  }
.Ltmp1:
0x78: {  	[tilespmem:s21+$0x8020] =	vst v4;
	v4 =	vmul.f32 s23, v6;
	(pc) =	sbr.rel @p0 .LBB2_4-.Ltmp1, $4  }
0x79: {  	[tilespmem:s21+$0x8010] =	vst v3  }
0x7a: {  	[tilespmem:s21+$0x8000] =	vst v2;
	v2 =	vmul.f32 $4.999999890e-03, v4  }
0x7b: {  	s20 =	sadd.s32 $0x10, s20;
	[tilespmem:s21+$0x80B8] =	vst v1  }
0x7c: {  	s21 =	sshra.s32 s22, $0x2;
	s22 =	sadd.s32 $0x400, s22;
	[tilespmem:s20+$0x0] =	vst v2  }
0x7d: {  	v1 =	vld [tilespmem:s21+$0xB8]  }
0x7e: {  	v2 =	vld [tilespmem:s21+$0x0]  }
0x7f: {  	v3 =	vld [tilespmem:s21+$0x10]  }
0x80: {  	v4 =	vld [tilespmem:s21+$0x20]  }
0x81: {  	v5 =	vld [tilespmem:s21+$0x30]  }
0x82: {  	v6 =	vld [tilespmem:s21+$0x40];
	vm0 =	vlt.s32 v1, $0x1  }
0x83: {  	v8 =	vld [tilespmem:s21+$0x50];
	vm4 =	vlt.s32 v2, $0x1;
	v7 =	vnsel vm0, $0x1, v1  }
0x84: {  	v10 =	vld [tilespmem:s21+$0x60];
	vm5 =	vlt.s32 v3, $0x1;
	v9 =	vnsel vm4, $0x1, v2;
	v7 =	vand.u32 v0, v7  }
0x85: {  	v11 =	vld [tilespmem:s21+$0x70];
	vm6 =	vlt.s32 v4, $0x1;
	v49 =	vnsel vm5, $0x1, v3;
	v7 =	vadd.s32 v9, v7  }
0x86: {  	v12 =	vld [tilespmem:s21+$0x80];
	vm7 =	vlt.s32 v5, $0x1;
	v50 =	vnsel vm6, $0x1, v4;
	v7 =	vadd.s32 v49, v7  }
0x87: {  	v13 =	vld [tilespmem:s21+$0x90];
	vm8 =	vlt.s32 v6, $0x1;
	v51 =	vnsel vm7, $0x1, v5;
	v7 =	vadd.s32 v50, v7  }
0x88: {  	v14 =	vld [tilespmem:s21+$0xA0];
	vm9 =	vlt.s32 v8, $0x1;
	v52 =	vnsel vm8, $0x1, v6;
	v7 =	vadd.s32 v51, v7  }
0x89: {  	v15 =	vld [tilespmem:s21+$0xB0];
	vm10 =	vlt.s32 v10, $0x1;
	v53 =	vnsel vm9, $0x1, v8;
	v7 =	vadd.s32 v52, v7  }
0x8a: {  	vm11 =	vlt.s32 v11, $0x1;
	v54 =	vnsel vm10, $0x1, v10;
	v7 =	vadd.s32 v53, v7  }
0x8b: {  	vm12 =	vlt.s32 v12, $0x1;
	v55 =	vnsel vm11, $0x1, v11;
	v7 =	vadd.s32 v54, v7  }
0x8c: {  	vm13 =	vlt.s32 v13, $0x1;
	v56 =	vnsel vm12, $0x1, v12;
	v7 =	vadd.s32 v55, v7  }
0x8d: {  	vm14 =	vlt.s32 v14, $0x1;
	v57 =	vnsel vm13, $0x1, v13;
	v7 =	vadd.s32 v56, v7  }
0x8e: {  	vm15 =	vlt.s32 v15, $0x1;
	v58 =	vnsel vm14, $0x1, v14;
	v7 =	vadd.s32 v57, v7  }
0x8f: {  	v59 =	vnsel vm15, $0x1, v15;
	v7 =	vadd.s32 v58, v7  }
0x90: {  	v7 =	vadd.s32 v59, v7  }
0x91: {  	(xrf0) =	vadd.scan.msk.s32 $0xffff, v7;
	_ =	sdelay $0x5  }
0x92: {  	v7, _, _ =	vpop (xrf0)  }
0x93: {  	(v2sf) =	vpush v7, $0xF;
	_ =	sdelay $0xe  }
0x94: {  	s22 =	spop (v2sf)  }
0x95: {  	s22 =	scvt.s32.f32 s22;
	_ =	sdelay $0x1  }
0x96: {  	s22 =	sadd.f32 $1.000000010e-10, s22;
	_ =	sdelay $0x1  }
0x97: {  	v60 =	vmov s22  }
0x98: {  	v61 =	vshra.s32 v60, $0x1;
	v7 =	vmul.f32 $5.000000000e-01, v60  }
0x99: {  	v9 =	vsub.s32 $0x5F3759DF, v61  }
0x9a: {  	v16 =	vmul.f32 v9, v7;
	_ =	sdelay $0x1  }
0x9b: {  	v16 =	vmul.f32 v9, v16;
	_ =	sdelay $0x1  }
0x9c: {  	v16 =	vsub.f32 $1.500000000e+00, v16;
	_ =	sdelay $0x1  }
0x9d: {  	v9 =	vmul.f32 v9, v16;
	_ =	sdelay $0x1  }
0x9e: {  	v16 =	vmul.f32 v9, v7;
	_ =	sdelay $0x1  }
0x9f: {  	v16 =	vmul.f32 v16, v9;
	_ =	sdelay $0x1  }
0xa0: {  	v16 =	vsub.f32 $1.500000000e+00, v16;
	_ =	sdelay $0x1  }
0xa1: {  	v9 =	vmul.f32 v16, v9  }
0xa2: {  	[tilespmem:s21+$0x80B0] =	vst v15  }
0xa3: {  	[tilespmem:s21+$0x80A0] =	vst v14;
	v7 =	vmul.f32 v9, v7  }
0xa4: {  	[tilespmem:s21+$0x8090] =	vst v13  }
0xa5: {  	[tilespmem:s21+$0x8080] =	vst v12;
	v7 =	vmul.f32 v7, v9  }
0xa6: {  	[tilespmem:s21+$0x8070] =	vst v11  }
0xa7: {  	[tilespmem:s21+$0x8060] =	vst v10;
	v7 =	vsub.f32 $1.500000000e+00, v7  }
0xa8: {  	[tilespmem:s21+$0x8050] =	vst v8  }
0xa9: {  	[tilespmem:s21+$0x8040] =	vst v6;
	v62 =	vmul.f32 v7, v9  }
0xaa: {  	[tilespmem:s21+$0x8030] =	vst v5  }
0xab: {  	[tilespmem:s21+$0x8020] =	vst v4;
	v63 =	vmul.f32 s22, v62  }
0xac: {  	[tilespmem:s21+$0x8010] =	vst v3  }
0xad: {  	[tilespmem:s21+$0x8000] =	vst v2;
	v2 =	vmul.f32 $4.999999890e-03, v63  }
0xae: {  	s20 =	sadd.s32 $0x10, s20;
	[tilespmem:s21+$0x80B8] =	vst v1  }
0xaf: {  	[tilespmem:s20+$0x0] =	vst v2  }
0xb0: {  	[tilespmem:s10], [sflag:$0x1] =	stream.indirect.gather [hbm4b:s3+s8], $0x40, s9, s8, $0xb8;
	[tilespmem:$0x18C00] =	vst v63  }
0xb1: {  	s20 =	simm.s32 $0x0  }
0xb2: {  	[tilespmem:s13], [sflag:$0x1] =	stream.indirect.gather [hbm4b:s3+s11], $0x40, s12, s11, $0xb8;
	[tilespmem:$0x18C00] =	vst v63  }
.LBB2_6:
0xb3: {  	s21 =	sshllo.u32 s20, $0x1  }
0xb4: {  	s22 =	sshll.u32 s21, $0x8  }
0xb5: {  	s22 =	sand.u32 $0x3FFFFF00, s22  }
0xb6: {  	s23 =	sadd.s32 $0x8000, s22  }
0xb7: {  	[tilespmem:s14], [sflag:$0x2] =	stream.indirect.gather [hbm4b:s3+s8], $0x40, s23, s8, $0xb8;
	[tilespmem:$0x18C00] =	vst v63  }
0xb8: {  	s22 =	sadd.s32 $0x8060, s22  }
0xb9: {  	[tilespmem:s15], [sflag:$0x2] =	stream.indirect.gather [hbm4b:s3+s11], $0x40, s22, s11, $0xb8;
	[tilespmem:$0x18C00] =	vst v63  }
0xba: {  	_ =	swait.ge [sflag:s16], $0x1800  }
0xbb: {  	[sflag:s16] =	ssyncset.done $0x0  }
0xbc: {  	[sflag:s16] =	ssyncadd.s32 $0xFFFFE800  }
0xbd: {  	_ =	swait.ge [sflag:s16], $0x1A00  }
0xbe: {  	[sflag:s16] =	ssyncset.done $0x0  }
0xbf: {  	s31 =	simm.s32 $0x0;
	[sflag:s16] =	ssyncadd.s32 $0xFFFFE600  }
0xc0: {  	v2 =	vld [tilespmem:s31+$0x10830]  }
0xc1: {  	v3 =	vld [tilespmem:s31+$0x10800]  }
0xc2: {  	v1 =	vimm.f32 $0.0e+00;
	v4 =	vld [tilespmem:s31+$0x10810]  }
0xc3: {  	v6 =	vimm.f32 $0.0e+00;
	v7 =	vimm.f32 $0.0e+00;
	v8 =	vimm.f32 $0.0e+00;
	s22 =	simm.s32 $0x100;
	v5 =	vld [tilespmem:s31+$0x10820]  }
.LBB2_7:
0xc4: {  	p0 =	sne.s32 s22, $0xC700  }
.Ltmp2:
0xc5: {  	s23 =	sshra.s32 s22, $0x2;
	s22 =	sadd.s32 $0x100, s22;
	v1 =	vadd.f32 v2, v1;
	(pc) =	sbr.rel @p0 .LBB2_7-.Ltmp2, $4  }
0xc6: {  	v2 =	vld [tilespmem:s23+$0x10830];
	v6 =	vadd.f32 v3, v6  }
0xc7: {  	v3 =	vld [tilespmem:s23+$0x10800];
	v7 =	vadd.f32 v4, v7  }
0xc8: {  	v4 =	vld [tilespmem:s23+$0x10810];
	v8 =	vadd.f32 v5, v8  }
0xc9: {  	v5 =	vld [tilespmem:s23+$0x10820]  }
0xca: {  	s22 =	sshll.u32 s20, $0x7  }
0xcb: {  	s23 =	sshrl.u32 s22, $0x2  }
0xcc: {  	v9 =	vld [tilespmem:s23+$0x10000];
	_ =	sdelay $0x2  }
0xcd: {  	v3 =	vadd.f32 v3, v6  }
0xce: {  	v4 =	vadd.f32 v4, v7  }
0xcf: {  	v1 =	vadd.f32 v2, v1;
	v3 =	vmul.f32 v9, v3  }
0xd0: {  	v5 =	vadd.f32 v5, v8;
	v2 =	vmul.f32 v9, v4  }
0xd1: {  	p0 =	seq.s32 s20, $0x3F;
	v1 =	vmul.f32 v9, v1;
	[tilespmem:s22+$0x16C00] =	vst v3  }
0xd2: {  	s23 =	sshll.u32 @!p0 s20, $0x9;
	v3 =	vmul.f32 v9, v5;
	[tilespmem:s22+$0x16C10] =	vst v2  }
0xd3: {  	s23 =	sand.u32 @!p0 $0x3FFFFE00, s23;
	[tilespmem:s22+$0x16C30] =	vst v1  }
0xd4: {  	s24 =	simm.s32 @!p0 $0x60;
	s25 =	simm.s32 @!p0 $0x10800;
	[tilespmem:s22+$0x16C20] =	vst v3;
	s22 =	sadd.s32 @!p0 $0x8200, s23  }
0xd5: {  	[tilespmem:s25], [sflag:$0x1] =	stream.indirect.gather @!p0 [hbm4b:s3+s24], $0x40, s22, s24, $0xb8;
	[tilespmem:$0x18C00] =	vst v63  }
0xd6: {  	s22 =	sadd.s32 @!p0 $0x8260, s23;
	s23 =	simm.s32 @!p0 $0x68;
	s24 =	simm.s32 @!p0 $0x12000  }
0xd7: {  	[tilespmem:s24], [sflag:$0x1] =	stream.indirect.gather @!p0 [hbm4b:s3+s23], $0x40, s22, s23, $0xb8;
	[tilespmem:$0x18C00] =	vst v63  }
0xd8: {  	_ =	swait.ge [sflag:s17], $0x1800  }
0xd9: {  	[sflag:s17] =	ssyncset.done $0x0  }
0xda: {  	[sflag:s17] =	ssyncadd.s32 $0xFFFFE800  }
0xdb: {  	_ =	swait.ge [sflag:s17], $0x1A00  }
0xdc: {  	[sflag:s17] =	ssyncset.done $0x0  }
0xdd: {  	s31 =	simm.s32 $0x0;
	[sflag:s17] =	ssyncadd.s32 $0xFFFFE600  }
0xde: {  	v2 =	vld [tilespmem:s31+$0x13A30]  }
0xdf: {  	v3 =	vld [tilespmem:s31+$0x13A00]  }
0xe0: {  	v6 =	vimm.f32 $0.0e+00;
	v4 =	vld [tilespmem:s31+$0x13A10]  }
0xe1: {  	v7 =	vimm.f32 $0.0e+00;
	v8 =	vimm.f32 $0.0e+00;
	v1 =	vimm.f32 $0.0e+00;
	s22 =	simm.s32 $0x100;
	v5 =	vld [tilespmem:s31+$0x13A20]  }
.LBB2_9:
0xe2: {  	p0 =	sne.s32 s22, $0xC700  }
.Ltmp3:
0xe3: {  	s23 =	sshra.s32 s22, $0x2;
	s22 =	sadd.s32 $0x100, s22;
	v1 =	vadd.f32 v2, v1;
	(pc) =	sbr.rel @p0 .LBB2_9-.Ltmp3, $4  }
0xe4: {  	v2 =	vld [tilespmem:s23+$0x13A30];
	v6 =	vadd.f32 v3, v6  }
0xe5: {  	v3 =	vld [tilespmem:s23+$0x13A00];
	v7 =	vadd.f32 v4, v7  }
0xe6: {  	v4 =	vld [tilespmem:s23+$0x13A10];
	v8 =	vadd.f32 v5, v8  }
0xe7: {  	v5 =	vld [tilespmem:s23+$0x13A20]  }
0xe8: {  	s21 =	sshll.u32 s21, $0x6  }
0xe9: {  	s22 =	sshrl.u32 s21, $0x2  }
0xea: {  	v9 =	vld [tilespmem:s22+$0x10000];
	_ =	sdelay $0x2  }
0xeb: {  	v3 =	vadd.f32 v3, v6  }
0xec: {  	s20 =	sadd.s32 $0x1, s20;
	v4 =	vadd.f32 v4, v7  }
0xed: {  	v1 =	vadd.f32 v2, v1;
	p0 =	sne.s32 s20, $0x40;
	v3 =	vmul.f32 v9, v3  }
.Ltmp4:
0xee: {  	v5 =	vadd.f32 v5, v8;
	v2 =	vmul.f32 v9, v4;
	(pc) =	sbr.rel @p0 .LBB2_6-.Ltmp4, $4  }
0xef: {  	v1 =	vmul.f32 v9, v1;
	[tilespmem:s21+$0x16C00] =	vst v3  }
0xf0: {  	v3 =	vmul.f32 v9, v5;
	[tilespmem:s21+$0x16C10] =	vst v2  }
0xf1: {  	[tilespmem:s21+$0x16C30] =	vst v1  }
0xf2: {  	[tilespmem:s21+$0x16C20] =	vst v3  }
0xf3: {  	s19 =	sadd.s32 $0x1, s19  }
0xf4: {  	p0 =	sne.s32 s19, s6  }
.Ltmp5:
0xf5: {  	_ = 	snop;
	(pc) =	sbr.rel @p0 .LBB2_1-.Ltmp5, $4  }
0xf6: {  	[hbm4b:s5+s2] =	stream.linear.scatter [tilespmem:s18], [sflag:$0x3], $0x2000, $0x38;
	[tilespmem:$0x18C00] =	vst v63  }
0xf7: {  	_ =	swait.ge [sflag:s7], $0x2000  }
0xf8: {  	[sflag:s7] =	ssyncset.done $0x0  }
0xf9: {  	[sflag:s7] =	ssyncadd.s32 $0xFFFFE000  }
0xfa: {  	_ =	sfence.sel $0x180000  }
0xfb: {  	[bflag:$0x0] =	sbarrier.arrive $0xFFFF  }
0xfc: {  	p0 =	sne.s32 s0, $0x0;
	_ =	strace $0x90000047  }
0xfd: {  	s0 =	sadd.s32 @!p0 $0x100000, s1;
	[bflag:$0x2] =	sbarrier.arrive $0xFFFF  }
0xfe: {  	[sflag:s0] =	ssyncadd.tile.s32 @!p0 $0x1;
	_ =	shalt  }
.Lfunc_end2:
_tile_overlayer_lowered:
.L_overlay_start_2:
0xff: {  	(tag) =	ssettag $0x2  }
0x100: {  	s0 =	rddreg [dreg:$0x0];
	s2 =	stileid.u32  }
0x101: {  	s1 =	rddreg [dreg:$0x1];
	p0 =	sne.s32 s2, $0x0  }
0x102: {  	s3 =	rddreg [dreg:$0x2];
	[bflag:$0x3] =	sbarrier.arrive $0xFFFF;
	s2 =	simm.s32 @!p0 $0x1C03  }
0x103: {  	[timem:s3], [sflag:s2] =	dma.local @!p0 [hbm:s0], s1  }
0x104: {  	s0 =	simm.s32 @!p0 $0x3  }
0x105: {  	_ =	swait.ge @!p0 [sflag:s0], s1  }
0x106: {  	s1 =	ssub.s32 @!p0 $0x0, s1;
	[sflag:s0] =	ssyncset.done @!p0 $0x0  }
0x107: {  	[sflag:s0] =	ssyncadd.s32 @!p0 s1  }
0x108: {  	[bflag:$0x3] =	sbarrier.arrive $0xFFFF  }
0x109: {  	_ =	shalt  }

</sc_bundles>
